<compile_context>
chip_gen: v7x
topology: tpu7x:2x2x1
jax: 0.10.2.dev20260603
libtpu: 0.0.44.dev20260713+nightly
codegen_flags: <defaults>
</compile_context>

<pallas_src>
import functools

import jax
import jax.numpy as jnp
import numpy as np
from jax import lax
from jax.experimental import pallas as pl
from jax.experimental.pallas import tpu as pltpu
from jax.experimental.pallas import tpu_sc as plsc

_SC_CORES = 2
_SC_SUBCORES = 16
_SC_WORKERS = _SC_CORES * _SC_SUBCORES
_GATHER_CHUNK = 64

_BLK = 256


def _router(x, w_gate):
    T, Dm = x.shape
    E = w_gate.shape[1]
    TB = 256

    def body(x_ref, wg_ref, i1_ref, i2_ref, g1_ref, g2_ref):
        logits = lax.dot_general(
            x_ref[...], wg_ref[...], (((1,), (0,)), ((), ())),
            preferred_element_type=jnp.float32)
        iota = lax.broadcasted_iota(jnp.int32, logits.shape, 1)
        v1 = jnp.max(logits, axis=1, keepdims=True)
        i1 = jnp.min(jnp.where(logits == v1, iota, E), axis=1, keepdims=True)
        masked = jnp.where(iota == i1, -jnp.inf, logits)
        v2 = jnp.max(masked, axis=1, keepdims=True)
        i2 = jnp.min(
            jnp.where((masked == v2) & (iota != i1), iota, E),
            axis=1, keepdims=True)
        e2 = jnp.exp(v2 - v1)
        den = 1.0 + e2
        i1_ref[...] = i1
        i2_ref[...] = i2
        g1_ref[...] = 1.0 / den
        g2_ref[...] = e2 / den

    return pl.pallas_call(
        body,
        grid=(T // TB,),
        in_specs=[
            pl.BlockSpec((TB, Dm), lambda i: (i, 0)),
            pl.BlockSpec((Dm, E), lambda i: (0, 0)),
        ],
        out_specs=[pl.BlockSpec((TB, 1), lambda i: (i, 0))] * 4,
        out_shape=[
            jax.ShapeDtypeStruct((T, 1), jnp.int32),
            jax.ShapeDtypeStruct((T, 1), jnp.int32),
            jax.ShapeDtypeStruct((T, 1), jnp.float32),
            jax.ShapeDtypeStruct((T, 1), jnp.float32),
        ],
    )(x, w_gate)


def _sc_gather_rows(table, idx):
    N, D = table.shape
    B = idx.shape[0]
    per_w = B // _SC_WORKERS
    n_ch = per_w // _GATHER_CHUNK
    mesh = plsc.VectorSubcoreMesh(core_axis_name="c", subcore_axis_name="s")

    @functools.partial(
        pl.kernel,
        mesh=mesh,
        out_type=jax.ShapeDtypeStruct((B, D), table.dtype),
        scratch_types=[
            pltpu.VMEM((_GATHER_CHUNK,), jnp.int32),
            pltpu.VMEM((_GATHER_CHUNK, D), table.dtype),
            pltpu.SemaphoreType.DMA,
        ],
    )
    def gather_kernel(table_hbm, idx_hbm, out_hbm, idx_v, rows_v, sem):
        wid = lax.axis_index("s") * _SC_CORES + lax.axis_index("c")
        base = wid * per_w

        def chunk(c, carry):
            off = base + c * _GATHER_CHUNK
            pltpu.sync_copy(idx_hbm.at[pl.ds(off, _GATHER_CHUNK)], idx_v)
            pltpu.async_copy(table_hbm.at[idx_v], rows_v, sem).wait()
            pltpu.sync_copy(rows_v, out_hbm.at[pl.ds(off, _GATHER_CHUNK)])
            return carry

        lax.fori_loop(0, n_ch, chunk, 0)

    return gather_kernel(table, idx)


def _expert_blocks(x_sorted, w1b, w2b, row_gate, blk_exp):
    P, Dm = x_sorted.shape
    E, _, F = w1b.shape
    R = P // _BLK

    def body(be_ref, x_ref, w1_ref, w2_ref, g_ref, z_ref):
        xb = x_ref[...].astype(jnp.bfloat16)
        h = lax.dot_general(
            xb, w1_ref[0], (((1,), (0,)), ((), ())),
            preferred_element_type=jnp.float32)
        hb = jnp.maximum(h, 0.0).astype(jnp.bfloat16)
        y = lax.dot_general(
            hb, w2_ref[0], (((1,), (0,)), ((), ())),
            preferred_element_type=jnp.float32)
        z_ref[...] = g_ref[...] * jnp.exp(y)

    grid_spec = pltpu.PrefetchScalarGridSpec(
        num_scalar_prefetch=1,
        grid=(R,),
        in_specs=[
            pl.BlockSpec((_BLK, Dm), lambda i, be: (i, 0)),
            pl.BlockSpec((1, Dm, F), lambda i, be: (be[i], 0, 0)),
            pl.BlockSpec((1, F, Dm), lambda i, be: (be[i], 0, 0)),
            pl.BlockSpec((_BLK, 1), lambda i, be: (i, 0)),
        ],
        out_specs=pl.BlockSpec((_BLK, Dm), lambda i, be: (i, 0)),
    )
    return pl.pallas_call(
        body,
        grid_spec=grid_spec,
        out_shape=jax.ShapeDtypeStruct((P, Dm), jnp.float32),
        compiler_params=pltpu.CompilerParams(
            dimension_semantics=("arbitrary",)),
    )(blk_exp, x_sorted, w1b, w2b, row_gate)


def _combine(zz):
    _, T, Dm = zz.shape
    TB = 256
    eps = np.float32(np.finfo(np.float64).eps)

    def body(zz_ref, o_ref):
        s = zz_ref[0] + zz_ref[1]
        o_ref[...] = jnp.log(jnp.where(s == 0.0, eps, s))

    return pl.pallas_call(
        body,
        grid=(T // TB,),
        in_specs=[pl.BlockSpec((2, TB, Dm), lambda i: (0, i, 0))],
        out_specs=pl.BlockSpec((TB, Dm), lambda i: (i, 0)),
        out_shape=jax.ShapeDtypeStruct((T, Dm), jnp.float32),
    )(zz)


def kernel(x, w_gate, w1, w2):
    T, Dm = x.shape
    E = w_gate.shape[1]
    R = (2 * T) // _BLK + E - 1
    R += (-R) % 8
    P = R * _BLK

    i1, i2, g1, g2 = _router(x, w_gate)

    i32 = jnp.int32
    e_all = jnp.concatenate([i1[:, 0], i2[:, 0]])
    g_all = jnp.concatenate([g1[:, 0], g2[:, 0]])
    ar = jnp.arange(T, dtype=i32)
    tok_all = jnp.concatenate([ar, ar])
    oh = (e_all[:, None] == jnp.arange(E, dtype=i32)[None, :]).astype(i32)
    csum = jnp.cumsum(oh, axis=0)
    counts = csum[-1]
    nblk = (counts + _BLK - 1) // _BLK
    blk_start = jnp.concatenate(
        [jnp.zeros((1,), i32), jnp.cumsum(nblk)[:-1].astype(i32)])
    rank = jnp.take_along_axis(csum, e_all[:, None], axis=1)[:, 0] - 1
    dst = blk_start[e_all] * _BLK + rank
    row_token = jnp.zeros((P,), i32).at[dst].set(tok_all)
    row_gate = jnp.zeros((P, 1), jnp.float32).at[dst, 0].set(g_all)
    blk_exp = jnp.clip(
        (jnp.arange(R, dtype=i32)[:, None] >= blk_start[None, :]).sum(
            axis=1) - 1, 0, E - 1).astype(i32)

    x_sorted = _sc_gather_rows(x, row_token)

    w1b = w1.astype(jnp.bfloat16)
    w2b = w2.astype(jnp.bfloat16)
    z = _expert_blocks(x_sorted, w1b, w2b, row_gate, blk_exp)

    zz = _sc_gather_rows(z, dst).reshape(2, T, Dm)

    return _combine(zz)

# --- scband reference (transcript-rebuilt; emitter-appended) ---
"""Pipeline reference for scband-pamo-e-61117384622830 (READ-ONLY COPY).

The authoritative reference and input builder live on the scoring server;
editing this copy changes nothing except your own understanding.
"""

import jax, jax.numpy as jnp
import numpy as np

NUM_EXPERTS = 8
TOP_K = 2
D_MODEL = 1024
D_FF = 2048
N_TOKENS = 4096


def setup_inputs(seed: int = 0) -> dict:
    key = jax.random.key(seed)
    k1, k2, k3, k4 = jax.random.split(key, 4)
    x = jax.random.normal(k1, (N_TOKENS, D_MODEL), dtype=jnp.float32)
    w_gate = jax.random.normal(k2, (D_MODEL, NUM_EXPERTS), dtype=jnp.float32) * (1.0 / np.sqrt(D_MODEL))
    w1 = jax.random.normal(k3, (NUM_EXPERTS, D_MODEL, D_FF), dtype=jnp.float32) * (1.0 / np.sqrt(D_MODEL))
    w2 = jax.random.normal(k4, (NUM_EXPERTS, D_FF, D_MODEL), dtype=jnp.float32) * (1.0 / np.sqrt(D_FF))
    return {"x": x, "w_gate": w_gate, "w1": w1, "w2": w2}


def _top_k_gates(logits):
    # top-k gating (eval-mode / no-noise branch of the noisy-top-k router)
    top_vals, top_idx = jax.lax.top_k(logits, TOP_K)
    top_gates = jax.nn.softmax(top_vals, axis=-1)
    rows = jnp.arange(logits.shape[0])[:, None]
    gates = jnp.zeros_like(logits).at[rows, top_idx].set(top_gates)
    return gates


def reference(x, w_gate, w1, w2):
    # router: linear gate logits -> sparse top-k gates [T, E]
    logits = x @ w_gate
    gates = _top_k_gates(logits)
    # expert computation (dense math-equivalent of SparseDispatcher.dispatch:
    # zero gates annihilate non-selected expert contributions)
    h = jax.nn.relu(jnp.einsum('td,edf->etf', x, w1))
    expert_out = jnp.einsum('etf,efd->etd', h, w2)  # [E, T, D]
    # SparseDispatcher.combine: log( sum_e gate[t,e] * exp(expert_out_e[t]) )
    stitched = jnp.exp(expert_out) * jnp.transpose(gates)[:, :, None]
    combined = jnp.sum(stitched, axis=0)  # [T, D]
    eps = jnp.asarray(np.finfo(np.float64).eps, dtype=combined.dtype)
    combined = jnp.where(combined == 0, eps, combined)
    return jnp.log(combined)

if __name__ == "__main__":
    import jax
    _d = setup_inputs()
    print(jax.jit(kernel)(*tuple(_d.values())))

</pallas_src>

<mosaic_0001>
#map = affine_map<(d0, d1) -> (0, 0)>
#map1 = affine_map<(d0, d1) -> (0)>
module attributes {stable_mosaic.version = 14 : i64} {
  func.func @gather_kernel(%arg0: i32, %arg1: i32, %arg2: memref<10240x1024xf32, #tpu.memory_space<hbm>>, %arg3: memref<8192xi32, #tpu.memory_space<hbm>>, %arg4: memref<8192x1024xf32, #tpu.memory_space<hbm>>, %arg5: memref<64xi32, #tpu.memory_space<vmem>>, %arg6: memref<64x1024xf32, #tpu.memory_space<vmem>>, %arg7: memref<!tpu.dma_semaphore, #tpu.memory_space<semaphore_mem>>) attributes {dimension_semantics = [#tpu.dimension_semantics<core_parallel>, #tpu.dimension_semantics<subcore_parallel>], iteration_bounds = array<i64: 2, 16>, scalar_prefetch = 0 : i64, scratch_operands = 3 : i64, tpu.core_type = #tpu.core_type<sc_vector_subcore>, window_params = [{transform_indices = #map}, {transform_indices = #map1}, {transform_indices = #map}]} {
    %mul3A = arith.constant 2 : i32
    %mul3A_0 = arith.muli %arg1, %mul3A : i32
    %add3A = arith.addi %mul3A_0, %arg0 : i32
    %mul3A_1 = arith.constant 256 : i32
    %mul3A_2 = arith.muli %add3A, %mul3A_1 : i32
    %scan3A = arith.constant 0 : i32
    %scan3A_3 = arith.constant 0 : i32
    %scan3A_4 = arith.constant 4 : i32
    %scan3A_5 = arith.addi %scan3A_3, %scan3A_4 : i32
    %scan3A_6 = arith.constant 1 : i32
    scf.for %scan3A_8 = %scan3A_3 to %scan3A_5 step %scan3A_6  : i32 {
      %mul3A_9 = arith.constant 64 : i32
      %mul3A_10 = arith.muli %scan3A_8, %mul3A_9 : i32
      %add3A_11 = arith.addi %mul3A_2, %mul3A_10 : i32
      "tpu.region"() ({
        %run_scoped3A = tpu.sem_alloc : memref<!tpu.dma_semaphore, #tpu.memory_space<semaphore_mem>>
        %dma_start3A_16 = tpu.memref_slice %arg3[%add3A_11] : memref<8192xi32, #tpu.memory_space<hbm>> -> memref<64xi32, #tpu.memory_space<hbm>>
        %dma_start3A_17 = tpu.memref_slice %arg3[%add3A_11] : memref<8192xi32, #tpu.memory_space<hbm>> -> memref<64xi32, #tpu.memory_space<hbm>>
        tpu.enqueue_dma source(%dma_start3A_17 : memref<64xi32, #tpu.memory_space<hbm>>) target(%arg5 : memref<64xi32, #tpu.memory_space<vmem>>) target_semaphore(%run_scoped3A : memref<!tpu.dma_semaphore, #tpu.memory_space<semaphore_mem>>)
        %dma_wait3A_18 = tpu.memref_slice %arg3[%add3A_11] : memref<8192xi32, #tpu.memory_space<hbm>> -> memref<64xi32, #tpu.memory_space<hbm>>
        %dma_wait3A_19 = tpu.memref_slice %arg3[%add3A_11] : memref<8192xi32, #tpu.memory_space<hbm>> -> memref<64xi32, #tpu.memory_space<hbm>>
        tpu.wait_dma2 semaphore(%run_scoped3A : memref<!tpu.dma_semaphore, #tpu.memory_space<semaphore_mem>>) src(%dma_wait3A_19 : memref<64xi32, #tpu.memory_space<hbm>>) dst(%arg5 : memref<64xi32, #tpu.memory_space<vmem>>)
        tpu.yield
      }) : () -> ()
      %dma_start3A = arith.constant 0 : i32
      %dma_start3A_12 = arith.constant 0 : i32
      %dma_start3A_13 = tpu.memref_slice %arg2[%dma_start3A, %dma_start3A_12] : memref<10240x1024xf32, #tpu.memory_space<hbm>> -> memref<10240x1024xf32, #tpu.memory_space<hbm>>
      tpu.enqueue_indirect_dma source(%dma_start3A_13 : memref<10240x1024xf32, #tpu.memory_space<hbm>>) target(%arg6 : memref<64x1024xf32, #tpu.memory_space<vmem>>) offsets(%arg5 : memref<64xi32, #tpu.memory_space<vmem>>) semaphore(%arg7 : memref<!tpu.dma_semaphore, #tpu.memory_space<semaphore_mem>>)
      %dma_wait3A = arith.constant 0 : i32
      %dma_wait3A_14 = arith.constant 0 : i32
      %dma_wait3A_15 = tpu.memref_slice %arg2[%dma_wait3A, %dma_wait3A_14] : memref<10240x1024xf32, #tpu.memory_space<hbm>> -> memref<10240x1024xf32, #tpu.memory_space<hbm>>
      tpu.wait_indirect_dma semaphore(%arg7 : memref<!tpu.dma_semaphore, #tpu.memory_space<semaphore_mem>>) src(%dma_wait3A_15 : memref<10240x1024xf32, #tpu.memory_space<hbm>>) dst(%arg6 : memref<64x1024xf32, #tpu.memory_space<vmem>>)
      "tpu.region"() ({
        %run_scoped3A = tpu.sem_alloc : memref<!tpu.dma_semaphore, #tpu.memory_space<semaphore_mem>>
        %dma_start3A_16 = arith.constant 0 : i32
        %dma_start3A_17 = tpu.memref_slice %arg4[%add3A_11, %dma_start3A_16] : memref<8192x1024xf32, #tpu.memory_space<hbm>> -> memref<64x1024xf32, #tpu.memory_space<hbm>>
        %dma_start3A_18 = arith.constant 0 : i32
        %dma_start3A_19 = tpu.memref_slice %arg4[%add3A_11, %dma_start3A_18] : memref<8192x1024xf32, #tpu.memory_space<hbm>> -> memref<64x1024xf32, #tpu.memory_space<hbm>>
        tpu.enqueue_dma source(%arg6 : memref<64x1024xf32, #tpu.memory_space<vmem>>) target(%dma_start3A_19 : memref<64x1024xf32, #tpu.memory_space<hbm>>) target_semaphore(%run_scoped3A : memref<!tpu.dma_semaphore, #tpu.memory_space<semaphore_mem>>)
        %dma_wait3A_20 = arith.constant 0 : i32
        %dma_wait3A_21 = tpu.memref_slice %arg4[%add3A_11, %dma_wait3A_20] : memref<8192x1024xf32, #tpu.memory_space<hbm>> -> memref<64x1024xf32, #tpu.memory_space<hbm>>
        %dma_wait3A_22 = arith.constant 0 : i32
        %dma_wait3A_23 = tpu.memref_slice %arg4[%add3A_11, %dma_wait3A_22] : memref<8192x1024xf32, #tpu.memory_space<hbm>> -> memref<64x1024xf32, #tpu.memory_space<hbm>>
        tpu.wait_dma2 semaphore(%run_scoped3A : memref<!tpu.dma_semaphore, #tpu.memory_space<semaphore_mem>>) src(%arg6 : memref<64x1024xf32, #tpu.memory_space<vmem>>) dst(%dma_wait3A_23 : memref<64x1024xf32, #tpu.memory_space<hbm>>)
        tpu.yield
      }) : () -> ()
    }
    %scan3A_7 = arith.constant 4 : i32
    return
  }
}

#map = affine_map<(d0, d1) -> (0, 0)>
#map1 = affine_map<(d0, d1) -> (0)>
module attributes {stable_mosaic.version = 14 : i64} {
  func.func @gather_kernel(%arg0: i32, %arg1: i32, %arg2: memref<4096x1024xf32, #tpu.memory_space<hbm>>, %arg3: memref<10240xi32, #tpu.memory_space<hbm>>, %arg4: memref<10240x1024xf32, #tpu.memory_space<hbm>>, %arg5: memref<64xi32, #tpu.memory_space<vmem>>, %arg6: memref<64x1024xf32, #tpu.memory_space<vmem>>, %arg7: memref<!tpu.dma_semaphore, #tpu.memory_space<semaphore_mem>>) attributes {dimension_semantics = [#tpu.dimension_semantics<core_parallel>, #tpu.dimension_semantics<subcore_parallel>], iteration_bounds = array<i64: 2, 16>, scalar_prefetch = 0 : i64, scratch_operands = 3 : i64, tpu.core_type = #tpu.core_type<sc_vector_subcore>, window_params = [{transform_indices = #map}, {transform_indices = #map1}, {transform_indices = #map}]} {
    %mul3A = arith.constant 2 : i32
    %mul3A_0 = arith.muli %arg1, %mul3A : i32
    %add3A = arith.addi %mul3A_0, %arg0 : i32
    %mul3A_1 = arith.constant 320 : i32
    %mul3A_2 = arith.muli %add3A, %mul3A_1 : i32
    %scan3A = arith.constant 0 : i32
    %scan3A_3 = arith.constant 0 : i32
    %scan3A_4 = arith.constant 5 : i32
    %scan3A_5 = arith.addi %scan3A_3, %scan3A_4 : i32
    %scan3A_6 = arith.constant 1 : i32
    scf.for %scan3A_8 = %scan3A_3 to %scan3A_5 step %scan3A_6  : i32 {
      %mul3A_9 = arith.constant 64 : i32
      %mul3A_10 = arith.muli %scan3A_8, %mul3A_9 : i32
      %add3A_11 = arith.addi %mul3A_2, %mul3A_10 : i32
      "tpu.region"() ({
        %run_scoped3A = tpu.sem_alloc : memref<!tpu.dma_semaphore, #tpu.memory_space<semaphore_mem>>
        %dma_start3A_16 = tpu.memref_slice %arg3[%add3A_11] : memref<10240xi32, #tpu.memory_space<hbm>> -> memref<64xi32, #tpu.memory_space<hbm>>
        %dma_start3A_17 = tpu.memref_slice %arg3[%add3A_11] : memref<10240xi32, #tpu.memory_space<hbm>> -> memref<64xi32, #tpu.memory_space<hbm>>
        tpu.enqueue_dma source(%dma_start3A_17 : memref<64xi32, #tpu.memory_space<hbm>>) target(%arg5 : memref<64xi32, #tpu.memory_space<vmem>>) target_semaphore(%run_scoped3A : memref<!tpu.dma_semaphore, #tpu.memory_space<semaphore_mem>>)
        %dma_wait3A_18 = tpu.memref_slice %arg3[%add3A_11] : memref<10240xi32, #tpu.memory_space<hbm>> -> memref<64xi32, #tpu.memory_space<hbm>>
        %dma_wait3A_19 = tpu.memref_slice %arg3[%add3A_11] : memref<10240xi32, #tpu.memory_space<hbm>> -> memref<64xi32, #tpu.memory_space<hbm>>
        tpu.wait_dma2 semaphore(%run_scoped3A : memref<!tpu.dma_semaphore, #tpu.memory_space<semaphore_mem>>) src(%dma_wait3A_19 : memref<64xi32, #tpu.memory_space<hbm>>) dst(%arg5 : memref<64xi32, #tpu.memory_space<vmem>>)
        tpu.yield
      }) : () -> ()
      %dma_start3A = arith.constant 0 : i32
      %dma_start3A_12 = arith.constant 0 : i32
      %dma_start3A_13 = tpu.memref_slice %arg2[%dma_start3A, %dma_start3A_12] : memref<4096x1024xf32, #tpu.memory_space<hbm>> -> memref<4096x1024xf32, #tpu.memory_space<hbm>>
      tpu.enqueue_indirect_dma source(%dma_start3A_13 : memref<4096x1024xf32, #tpu.memory_space<hbm>>) target(%arg6 : memref<64x1024xf32, #tpu.memory_space<vmem>>) offsets(%arg5 : memref<64xi32, #tpu.memory_space<vmem>>) semaphore(%arg7 : memref<!tpu.dma_semaphore, #tpu.memory_space<semaphore_mem>>)
      %dma_wait3A = arith.constant 0 : i32
      %dma_wait3A_14 = arith.constant 0 : i32
      %dma_wait3A_15 = tpu.memref_slice %arg2[%dma_wait3A, %dma_wait3A_14] : memref<4096x1024xf32, #tpu.memory_space<hbm>> -> memref<4096x1024xf32, #tpu.memory_space<hbm>>
      tpu.wait_indirect_dma semaphore(%arg7 : memref<!tpu.dma_semaphore, #tpu.memory_space<semaphore_mem>>) src(%dma_wait3A_15 : memref<4096x1024xf32, #tpu.memory_space<hbm>>) dst(%arg6 : memref<64x1024xf32, #tpu.memory_space<vmem>>)
      "tpu.region"() ({
        %run_scoped3A = tpu.sem_alloc : memref<!tpu.dma_semaphore, #tpu.memory_space<semaphore_mem>>
        %dma_start3A_16 = arith.constant 0 : i32
        %dma_start3A_17 = tpu.memref_slice %arg4[%add3A_11, %dma_start3A_16] : memref<10240x1024xf32, #tpu.memory_space<hbm>> -> memref<64x1024xf32, #tpu.memory_space<hbm>>
        %dma_start3A_18 = arith.constant 0 : i32
        %dma_start3A_19 = tpu.memref_slice %arg4[%add3A_11, %dma_start3A_18] : memref<10240x1024xf32, #tpu.memory_space<hbm>> -> memref<64x1024xf32, #tpu.memory_space<hbm>>
        tpu.enqueue_dma source(%arg6 : memref<64x1024xf32, #tpu.memory_space<vmem>>) target(%dma_start3A_19 : memref<64x1024xf32, #tpu.memory_space<hbm>>) target_semaphore(%run_scoped3A : memref<!tpu.dma_semaphore, #tpu.memory_space<semaphore_mem>>)
        %dma_wait3A_20 = arith.constant 0 : i32
        %dma_wait3A_21 = tpu.memref_slice %arg4[%add3A_11, %dma_wait3A_20] : memref<10240x1024xf32, #tpu.memory_space<hbm>> -> memref<64x1024xf32, #tpu.memory_space<hbm>>
        %dma_wait3A_22 = arith.constant 0 : i32
        %dma_wait3A_23 = tpu.memref_slice %arg4[%add3A_11, %dma_wait3A_22] : memref<10240x1024xf32, #tpu.memory_space<hbm>> -> memref<64x1024xf32, #tpu.memory_space<hbm>>
        tpu.wait_dma2 semaphore(%run_scoped3A : memref<!tpu.dma_semaphore, #tpu.memory_space<semaphore_mem>>) src(%arg6 : memref<64x1024xf32, #tpu.memory_space<vmem>>) dst(%dma_wait3A_23 : memref<64x1024xf32, #tpu.memory_space<hbm>>)
        tpu.yield
      }) : () -> ()
    }
    %scan3A_7 = arith.constant 5 : i32
    return
  }
}

module attributes {stable_mosaic.version = 14 : i64} {
  func.func @body(%arg0: i32, %arg1: memref<256x1024xf32, #tpu.memory_space<vmem>>, %arg2: memref<1024x8xf32, #tpu.memory_space<vmem>>, %arg3: memref<256x1xi32, #tpu.memory_space<vmem>>, %arg4: memref<256x1xi32, #tpu.memory_space<vmem>>, %arg5: memref<256x1xf32, #tpu.memory_space<vmem>>, %arg6: memref<256x1xf32, #tpu.memory_space<vmem>>) attributes {dimension_semantics = [#tpu.dimension_semantics<arbitrary>], iteration_bounds = array<i64: 16>, scalar_prefetch = 0 : i64, scratch_operands = 0 : i64, tpu.core_type = #tpu.core_type<tc>, window_params = [{transform_indices = @transform_0, window_bounds = array<i64: 256, 1024>}, {pipeline_mode = #tpu.pipeline_mode<synchronous>, transform_indices = @transform_1, window_bounds = array<i64: 1024, 8>}, {transform_indices = @transform_2, window_bounds = array<i64: 256, 1>}, {transform_indices = @transform_3, window_bounds = array<i64: 256, 1>}, {transform_indices = @transform_4, window_bounds = array<i64: 256, 1>}, {transform_indices = @transform_5, window_bounds = array<i64: 256, 1>}]} {
    %get3A = arith.constant 0 : index
    %get3A_0 = arith.constant 0 : index
    %get3A_1 = vector.load %arg1[%get3A, %get3A_0] : memref<256x1024xf32, #tpu.memory_space<vmem>>, vector<256x1024xf32>
    %get3A_2 = arith.constant 0 : index
    %get3A_3 = arith.constant 0 : index
    %get3A_4 = vector.load %arg2[%get3A_2, %get3A_3] : memref<1024x8xf32, #tpu.memory_space<vmem>>, vector<1024x8xf32>
    %dot_general3A = arith.constant dense<0.000000e+00> : vector<256x8xf32>
    %dot_general3A_5 = tpu.matmul %get3A_1, %get3A_4, %dot_general3A {dimension_numbers = #tpu.dot_dimension_numbers<[1], [0], [0], [1], [0, 0, 1, 1], [], []>, transpose_lhs_hint = false} : vector<256x1024xf32>, vector<1024x8xf32>, vector<256x8xf32> -> vector<256x8xf32>
    %iota3A = tpu.iota {dimensions = array<i32: 1>} : vector<256x8xi32>
    %reduce_max3A = arith.constant dense<0xFF800000> : vector<256xf32>
    %reduce_max3A_6 = vector.multi_reduction <maximumf>, %dot_general3A_5, %reduce_max3A [1] : vector<256x8xf32> to vector<256xf32>
    %broadcast_in_dim3A = vector.shape_cast %reduce_max3A_6 : vector<256xf32> to vector<256x1xf32>
    %eq3A = vector.broadcast %broadcast_in_dim3A : vector<256x1xf32> to vector<256x8xf32>
    %eq3A_7 = arith.cmpf oeq, %dot_general3A_5, %eq3A : vector<256x8xf32>
    %jit3A = arith.constant 8 : i32
    %broadcast_in_dim3A_8 = vector.broadcast %jit3A : i32 to vector<256x8xi32>
    %select_n3A = arith.select %eq3A_7, %iota3A, %broadcast_in_dim3A_8 : vector<256x8xi1>, vector<256x8xi32>
    %reduce_min3A = arith.constant dense<2147483647> : vector<256xi32>
    %reduce_min3A_9 = vector.multi_reduction <minsi>, %select_n3A, %reduce_min3A [1] : vector<256x8xi32> to vector<256xi32>
    %broadcast_in_dim3A_10 = vector.shape_cast %reduce_min3A_9 : vector<256xi32> to vector<256x1xi32>
    %eq3A_11 = vector.broadcast %broadcast_in_dim3A_10 : vector<256x1xi32> to vector<256x8xi32>
    %eq3A_12 = arith.cmpi eq, %iota3A, %eq3A_11 : vector<256x8xi32>
    %jit3A_13 = arith.constant 0xFF800000 : f32
    %broadcast_in_dim3A_14 = vector.broadcast %jit3A_13 : f32 to vector<256x8xf32>
    %select_n3A_15 = arith.select %eq3A_12, %broadcast_in_dim3A_14, %dot_general3A_5 : vector<256x8xi1>, vector<256x8xf32>
    %reduce_max3A_16 = arith.constant dense<0xFF800000> : vector<256xf32>
    %reduce_max3A_17 = vector.multi_reduction <maximumf>, %select_n3A_15, %reduce_max3A_16 [1] : vector<256x8xf32> to vector<256xf32>
    %broadcast_in_dim3A_18 = vector.shape_cast %reduce_max3A_17 : vector<256xf32> to vector<256x1xf32>
    %eq3A_19 = vector.broadcast %broadcast_in_dim3A_18 : vector<256x1xf32> to vector<256x8xf32>
    %eq3A_20 = arith.cmpf oeq, %select_n3A_15, %eq3A_19 : vector<256x8xf32>
    %ne3A = vector.broadcast %broadcast_in_dim3A_10 : vector<256x1xi32> to vector<256x8xi32>
    %ne3A_21 = arith.cmpi ne, %iota3A, %ne3A : vector<256x8xi32>
    %and3A = arith.andi %eq3A_20, %ne3A_21 : vector<256x8xi1>
    %jit3A_22 = arith.constant 8 : i32
    %broadcast_in_dim3A_23 = vector.broadcast %jit3A_22 : i32 to vector<256x8xi32>
    %select_n3A_24 = arith.select %and3A, %iota3A, %broadcast_in_dim3A_23 : vector<256x8xi1>, vector<256x8xi32>
    %reduce_min3A_25 = arith.constant dense<2147483647> : vector<256xi32>
    %reduce_min3A_26 = vector.multi_reduction <minsi>, %select_n3A_24, %reduce_min3A_25 [1] : vector<256x8xi32> to vector<256xi32>
    %broadcast_in_dim3A_27 = vector.shape_cast %reduce_min3A_26 : vector<256xi32> to vector<256x1xi32>
    %sub3A = arith.subf %broadcast_in_dim3A_18, %broadcast_in_dim3A : vector<256x1xf32>
    %exp3A = math.exp %sub3A : vector<256x1xf32>
    %add3A = arith.constant 1.000000e+00 : f32
    %add3A_28 = vector.broadcast %add3A : f32 to vector<256x1xf32>
    %add3A_29 = arith.addf %add3A_28, %exp3A : vector<256x1xf32>
    %swap3A = arith.constant 0 : index
    %swap3A_30 = arith.constant 0 : index
    %swap3A_31 = vector.load %arg3[%swap3A, %swap3A_30] : memref<256x1xi32, #tpu.memory_space<vmem>>, vector<256x1xi32>
    tpu.vector_store %arg3[%swap3A, %swap3A_30], %broadcast_in_dim3A_10 {strides = array<i32>} : memref<256x1xi32, #tpu.memory_space<vmem>>, vector<256x1xi32>,
    %swap3A_32 = arith.constant 0 : index
    %swap3A_33 = arith.constant 0 : index
    %swap3A_34 = vector.load %arg4[%swap3A_32, %swap3A_33] : memref<256x1xi32, #tpu.memory_space<vmem>>, vector<256x1xi32>
    tpu.vector_store %arg4[%swap3A_32, %swap3A_33], %broadcast_in_dim3A_27 {strides = array<i32>} : memref<256x1xi32, #tpu.memory_space<vmem>>, vector<256x1xi32>,
    %div3A = arith.constant 1.000000e+00 : f32
    %div3A_35 = vector.broadcast %div3A : f32 to vector<256x1xf32>
    %div3A_36 = arith.divf %div3A_35, %add3A_29 : vector<256x1xf32>
    %swap3A_37 = arith.constant 0 : index
    %swap3A_38 = arith.constant 0 : index
    %swap3A_39 = vector.load %arg5[%swap3A_37, %swap3A_38] : memref<256x1xf32, #tpu.memory_space<vmem>>, vector<256x1xf32>
    tpu.vector_store %arg5[%swap3A_37, %swap3A_38], %div3A_36 {strides = array<i32>} : memref<256x1xf32, #tpu.memory_space<vmem>>, vector<256x1xf32>,
    %div3A_40 = arith.divf %exp3A, %add3A_29 : vector<256x1xf32>
    %swap3A_41 = arith.constant 0 : index
    %swap3A_42 = arith.constant 0 : index
    %swap3A_43 = vector.load %arg6[%swap3A_41, %swap3A_42] : memref<256x1xf32, #tpu.memory_space<vmem>>, vector<256x1xf32>
    tpu.vector_store %arg6[%swap3A_41, %swap3A_42], %div3A_40 {strides = array<i32>} : memref<256x1xf32, #tpu.memory_space<vmem>>, vector<256x1xf32>,
    return
  }
  func.func @transform_0(%arg0: i32) -> (i32, i32) {
    %c0_i32 = arith.constant 0 : i32
    %c0_i32_0 = arith.constant 0 : i32
    return %arg0, %c0_i32 : i32, i32
  }
  func.func @transform_1(%arg0: i32) -> (i32, i32) {
    %c0_i32 = arith.constant 0 : i32
    %c0_i32_0 = arith.constant 0 : i32
    %c0_i32_1 = arith.constant 0 : i32
    return %c0_i32, %c0_i32_0 : i32, i32
  }
  func.func @transform_2(%arg0: i32) -> (i32, i32) {
    %c0_i32 = arith.constant 0 : i32
    %c0_i32_0 = arith.constant 0 : i32
    return %arg0, %c0_i32 : i32, i32
  }
  func.func @transform_3(%arg0: i32) -> (i32, i32) {
    %c0_i32 = arith.constant 0 : i32
    %c0_i32_0 = arith.constant 0 : i32
    return %arg0, %c0_i32 : i32, i32
  }
  func.func @transform_4(%arg0: i32) -> (i32, i32) {
    %c0_i32 = arith.constant 0 : i32
    %c0_i32_0 = arith.constant 0 : i32
    return %arg0, %c0_i32 : i32, i32
  }
  func.func @transform_5(%arg0: i32) -> (i32, i32) {
    %c0_i32 = arith.constant 0 : i32
    %c0_i32_0 = arith.constant 0 : i32
    return %arg0, %c0_i32 : i32, i32
  }
}

module attributes {stable_mosaic.version = 14 : i64} {
  func.func @body(%arg0: i32, %arg1: memref<40xi32, #tpu.memory_space<smem>>, %arg2: memref<256x1024xf32, #tpu.memory_space<vmem>>, %arg3: memref<1x1024x2048xbf16, #tpu.memory_space<vmem>>, %arg4: memref<1x2048x1024xbf16, #tpu.memory_space<vmem>>, %arg5: memref<256x1xf32, #tpu.memory_space<vmem>>, %arg6: memref<256x1024xf32, #tpu.memory_space<vmem>>) attributes {dimension_semantics = [#tpu.dimension_semantics<arbitrary>], iteration_bounds = array<i64: 40>, scalar_prefetch = 1 : i64, scratch_operands = 0 : i64, tpu.core_type = #tpu.core_type<tc>, window_params = [{transform_indices = @transform_0, window_bounds = array<i64: 256, 1024>}, {transform_indices = @transform_1, window_bounds = array<i64: 1, 1024, 2048>}, {transform_indices = @transform_2, window_bounds = array<i64: 1, 2048, 1024>}, {transform_indices = @transform_3, window_bounds = array<i64: 256, 1>}, {transform_indices = @transform_4, window_bounds = array<i64: 256, 1024>}]} {
    %get3A = arith.constant 0 : index
    %get3A_0 = arith.constant 0 : index
    %get3A_1 = vector.load %arg2[%get3A, %get3A_0] : memref<256x1024xf32, #tpu.memory_space<vmem>>, vector<256x1024xf32>
    %convert_element_type3A = arith.truncf %get3A_1 : vector<256x1024xf32> to vector<256x1024xbf16>
    %get3A_2 = arith.constant 0 : index
    %get3A_3 = arith.constant 0 : index
    %get3A_4 = arith.constant 0 : index
    %get3A_5 = vector.load %arg3[%get3A_2, %get3A_3, %get3A_4] : memref<1x1024x2048xbf16, #tpu.memory_space<vmem>>, vector<1x1024x2048xbf16>
    %get3A_6 = vector.shape_cast %get3A_5 : vector<1x1024x2048xbf16> to vector<1024x2048xbf16>
    %dot_general3A = arith.constant dense<0.000000e+00> : vector<256x2048xf32>
    %dot_general3A_7 = tpu.matmul %convert_element_type3A, %get3A_6, %dot_general3A {dimension_numbers = #tpu.dot_dimension_numbers<[1], [0], [0], [1], [0, 0, 1, 1], [], []>, transpose_lhs_hint = false} : vector<256x1024xbf16>, vector<1024x2048xbf16>, vector<256x2048xf32> -> vector<256x2048xf32>
    %max3A = arith.constant 0.000000e+00 : f32
    %max3A_8 = vector.broadcast %max3A : f32 to vector<256x2048xf32>
    %max3A_9 = arith.maximumf %dot_general3A_7, %max3A_8 : vector<256x2048xf32>
    %convert_element_type3A_10 = arith.truncf %max3A_9 : vector<256x2048xf32> to vector<256x2048xbf16>
    %get3A_11 = arith.constant 0 : index
    %get3A_12 = arith.constant 0 : index
    %get3A_13 = arith.constant 0 : index
    %get3A_14 = vector.load %arg4[%get3A_11, %get3A_12, %get3A_13] : memref<1x2048x1024xbf16, #tpu.memory_space<vmem>>, vector<1x2048x1024xbf16>
    %get3A_15 = vector.shape_cast %get3A_14 : vector<1x2048x1024xbf16> to vector<2048x1024xbf16>
    %dot_general3A_16 = arith.constant dense<0.000000e+00> : vector<256x1024xf32>
    %dot_general3A_17 = tpu.matmul %convert_element_type3A_10, %get3A_15, %dot_general3A_16 {dimension_numbers = #tpu.dot_dimension_numbers<[1], [0], [0], [1], [0, 0, 1, 1], [], []>, transpose_lhs_hint = false} : vector<256x2048xbf16>, vector<2048x1024xbf16>, vector<256x1024xf32> -> vector<256x1024xf32>
    %get3A_18 = arith.constant 0 : index
    %get3A_19 = arith.constant 0 : index
    %get3A_20 = vector.load %arg5[%get3A_18, %get3A_19] : memref<256x1xf32, #tpu.memory_space<vmem>>, vector<256x1xf32>
    %exp3A = math.exp %dot_general3A_17 : vector<256x1024xf32>
    %mul3A = vector.broadcast %get3A_20 : vector<256x1xf32> to vector<256x1024xf32>
    %mul3A_21 = arith.mulf %mul3A, %exp3A : vector<256x1024xf32>
    %swap3A = arith.constant 0 : index
    %swap3A_22 = arith.constant 0 : index
    %swap3A_23 = vector.load %arg6[%swap3A, %swap3A_22] : memref<256x1024xf32, #tpu.memory_space<vmem>>, vector<256x1024xf32>
    tpu.vector_store %arg6[%swap3A, %swap3A_22], %mul3A_21 {strides = array<i32>} : memref<256x1024xf32, #tpu.memory_space<vmem>>, vector<256x1024xf32>,
    return
  }
  func.func @transform_0(%arg0: i32, %arg1: memref<40xi32, #tpu.memory_space<smem>>) -> (i32, i32) {
    %c0_i32 = arith.constant 0 : i32
    %c0_i32_0 = arith.constant 0 : i32
    return %arg0, %c0_i32 : i32, i32
  }
  func.func @transform_1(%arg0: i32, %arg1: memref<40xi32, #tpu.memory_space<smem>>) -> (i32, i32, i32) {
    %get3A = arith.index_cast %arg0 : i32 to index
    %get3A_0 = memref.load %arg1[%get3A] : memref<40xi32, #tpu.memory_space<smem>>
    %c0_i32 = arith.constant 0 : i32
    %c0_i32_1 = arith.constant 0 : i32
    %c0_i32_2 = arith.constant 0 : i32
    return %get3A_0, %c0_i32, %c0_i32_1 : i32, i32, i32
  }
  func.func @transform_2(%arg0: i32, %arg1: memref<40xi32, #tpu.memory_space<smem>>) -> (i32, i32, i32) {
    %get3A = arith.index_cast %arg0 : i32 to index
    %get3A_0 = memref.load %arg1[%get3A] : memref<40xi32, #tpu.memory_space<smem>>
    %c0_i32 = arith.constant 0 : i32
    %c0_i32_1 = arith.constant 0 : i32
    %c0_i32_2 = arith.constant 0 : i32
    return %get3A_0, %c0_i32, %c0_i32_1 : i32, i32, i32
  }
  func.func @transform_3(%arg0: i32, %arg1: memref<40xi32, #tpu.memory_space<smem>>) -> (i32, i32) {
    %c0_i32 = arith.constant 0 : i32
    %c0_i32_0 = arith.constant 0 : i32
    return %arg0, %c0_i32 : i32, i32
  }
  func.func @transform_4(%arg0: i32, %arg1: memref<40xi32, #tpu.memory_space<smem>>) -> (i32, i32) {
    %c0_i32 = arith.constant 0 : i32
    %c0_i32_0 = arith.constant 0 : i32
    return %arg0, %c0_i32 : i32, i32
  }
}

module attributes {stable_mosaic.version = 14 : i64} {
  func.func @body(%arg0: i32, %arg1: memref<2x256x1024xf32, #tpu.memory_space<vmem>>, %arg2: memref<256x1024xf32, #tpu.memory_space<vmem>>) attributes {dimension_semantics = [#tpu.dimension_semantics<arbitrary>], iteration_bounds = array<i64: 16>, scalar_prefetch = 0 : i64, scratch_operands = 0 : i64, tpu.core_type = #tpu.core_type<tc>, window_params = [{transform_indices = @transform_0, window_bounds = array<i64: 2, 256, 1024>}, {transform_indices = @transform_1, window_bounds = array<i64: 256, 1024>}]} {
    %get3A = arith.constant 0 : index
    %get3A_0 = arith.constant 0 : index
    %get3A_1 = arith.constant 0 : index
    %get3A_2 = vector.load %arg1[%get3A, %get3A_0, %get3A_1] : memref<2x256x1024xf32, #tpu.memory_space<vmem>>, vector<1x256x1024xf32>
    %get3A_3 = vector.shape_cast %get3A_2 : vector<1x256x1024xf32> to vector<256x1024xf32>
    %get3A_4 = arith.constant 1 : index
    %get3A_5 = arith.constant 0 : index
    %get3A_6 = arith.constant 0 : index
    %get3A_7 = vector.load %arg1[%get3A_4, %get3A_5, %get3A_6] : memref<2x256x1024xf32, #tpu.memory_space<vmem>>, vector<1x256x1024xf32>
    %get3A_8 = vector.shape_cast %get3A_7 : vector<1x256x1024xf32> to vector<256x1024xf32>
    %add3A = arith.addf %get3A_3, %get3A_8 : vector<256x1024xf32>
    %eq3A = arith.constant 0.000000e+00 : f32
    %eq3A_9 = vector.broadcast %eq3A : f32 to vector<256x1024xf32>
    %eq3A_10 = arith.cmpf oeq, %add3A, %eq3A_9 : vector<256x1024xf32>
    %jit3A = arith.constant 2.22044605E-16 : f32
    %broadcast_in_dim3A = vector.broadcast %jit3A : f32 to vector<256x1024xf32>
    %select_n3A = arith.select %eq3A_10, %broadcast_in_dim3A, %add3A : vector<256x1024xi1>, vector<256x1024xf32>
    %log3A = math.log %select_n3A : vector<256x1024xf32>
    %swap3A = arith.constant 0 : index
    %swap3A_11 = arith.constant 0 : index
    %swap3A_12 = vector.load %arg2[%swap3A, %swap3A_11] : memref<256x1024xf32, #tpu.memory_space<vmem>>, vector<256x1024xf32>
    tpu.vector_store %arg2[%swap3A, %swap3A_11], %log3A {strides = array<i32>} : memref<256x1024xf32, #tpu.memory_space<vmem>>, vector<256x1024xf32>,
    return
  }
  func.func @transform_0(%arg0: i32) -> (i32, i32, i32) {
    %c0_i32 = arith.constant 0 : i32
    %c0_i32_0 = arith.constant 0 : i32
    %c0_i32_1 = arith.constant 0 : i32
    return %c0_i32, %arg0, %c0_i32_0 : i32, i32, i32
  }
  func.func @transform_1(%arg0: i32) -> (i32, i32) {
    %c0_i32 = arith.constant 0 : i32
    %c0_i32_0 = arith.constant 0 : i32
    return %arg0, %c0_i32 : i32, i32
  }
}

</mosaic_0001>

<sc_bundles>
// kernel: gather_offload_async_start
scs
__scs_entry_jumppad:
0x0: {  	(pc) =	sbr.rel $0x88, $3  }
0x1: {  	(tag) =	ssettag $0x0;
	lr =	simm.s32 $0x1  }
0x2: {  	[smem:$0x3F9D] =	sst lr;
	_ =	strace $0xD0000000  }
0x3: {  	_ = 	snop  }
0x4: {  	_ = 	snop  }
0x5: {  	_ = 	snop  }
0x6: {  	_ = 	snop  }
0x7: {  	_ = 	snop  }
__scs_overlays_trampoline_lowered:
0x8: {  	[smem:$0x3FAC] =	sst s0  }
0x9: {  	[smem:$0x3FAD] =	sst s1  }
0xa: {  	[smem:$0x3FAE] =	sst s2  }
0xb: {  	[smem:$0x3FAF] =	sst s3  }
0xc: {  	[smem:$0x3FB0] =	sst s4  }
0xd: {  	[smem:$0x3FB1] =	sst s5  }
0xe: {  	[smem:$0x3FB2] =	sst s6  }
0xf: {  	[smem:$0x3FB3] =	sst s7  }
0x10: {  	[smem:$0x3FB4] =	sst s8  }
0x11: {  	[smem:$0x3FB5] =	sst s9;
	s0 =	simm.s32 @!p0 $0x0  }
0x12: {  	s1 =	sld [smem:$0x3F9B];
	s0 =	simm.s32 @p0 $0x1  }
0x13: {  	[smem:$0x3FB6] =	sst s0;
	s0 =	simm.s32 @!p1 $0x0  }
0x14: {  	s2 =	sld [smem:$0x3F9A];
	s0 =	simm.s32 @p1 $0x1  }
0x15: {  	[smem:$0x3FB7] =	sst s0;
	s0 =	simm.s32 @!p2 $0x0  }
0x16: {  	s3 =	sld [smem:$0x3FDB];
	s0 =	simm.s32 @p2 $0x1  }
0x17: {  	s4 =	simm.s32 $0x1BF5;
	[smem:$0x3FB9] =	sst s0  }
0x18: {  	s0 =	sld [smem:$0x3F9C];
	_ =	swait.ge [sflag:s4], $0x0  }
0x19: {  	s7 =	sld [smem:$0x3F9D]  }
0x1a: {  	s8 =	sadd.s32 $0xFFFFE003, lr  }
0x1b: {  	s9 =	sadd.s32 $0xFFFFFEF7, lr;
	s5 =	simm.s32 $0xFFFFFFFF;
	p2 =	slt.u32 s8, $0xFFFFF086  }
0x1c: {  	p1 =	slt.u32 s9, $0xF7A;
	s5 =	simm.s32 @!p2 $0x0  }
0x1d: {  	s5 =	simm.s32 @p1 $0x1;
	p0 =	seq.s32 s7, s2  }
0x1e: {  	s7 =	smul.u32 @!p0 $0xF7A, s2;
	p2 =	seq.s32 @!p0 s5, $0x0  }
0x1f: {  	s9 =	smul.u32 $0xF7A, s1;
	s8 =	simm.s32 @!p0 $0x1BF5;
	p2 =	por !p2, p0  }
0x20: {  	[sflag:s8] =	ssyncset.s32 @!p0 $0xFFFFF086;
	s6 =	sadd.s32 @!p0 s3, s7;
	s7 =	simm.s32 @!p0 $0x108  }
0x21: {  	s3 =	sadd.s32 s3, s9;
	s6 =	sadd.s32 @!p0 $0x88, s6;
	s7 =	simm.s32 @p2 $0x1082  }
0x22: {  	[simem:s7], [sflag:s8] =	dma.local @!p0 [hbm:s6], $0xF7A  }
0x23: {  	s9 =	sor.u32 $0xD0000000, s2;
	s6 =	simm.s32 $0x108;
	_ =	swait.ge @!p0 [sflag:s8], $0x0  }
0x24: {  	s3 =	sadd.s32 $0x88, s3;
	s6 =	simm.s32 @!p1 $0x1082;
	[sflag:s4] =	ssyncset.s32 $0xFFFFF086  }
0x25: {  	[simem:s6], [sflag:s4] =	dma.local [hbm:s3], $0xF7A  }
0x26: {  	[smem:$0x3F9D] =	sst s1;
	(tag) =	ssettag s2;
	_ =	strace s9  }
0x27: {  	s1 =	sld [smem:$0x3FAD]  }
0x28: {  	s2 =	sld [smem:$0x3FAE]  }
0x29: {  	s4 =	sld [smem:$0x3FB0]  }
0x2a: {  	p0 =	seq.s32 s5, $0x0;
	s5 =	sld [smem:$0x3FB1]  }
0x2b: {  	s6 =	sld [smem:$0x3FB2]  }
0x2c: {  	s7 =	sld [smem:$0x3FB3]  }
0x2d: {  	s3 =	simm.s32 $0x108;
	s8 =	sld [smem:$0x3FB4]  }
0x2e: {  	s3 =	simm.s32 @!p0 $0x1082;
	s9 =	sld [smem:$0x3FB5]  }
0x2f: {  	lr =	sadd.s32 s0, s3;
	s0 =	sld [smem:$0x3FAC]  }
0x30: {  	s3 =	sld [smem:$0x3FAF]  }
0x31: {  	[smem:$0x3FB8] =	sst s10  }
0x32: {  	s10 =	sld [smem:$0x3FB6];
	_ =	sdelay $0x3  }
0x33: {  	p0 =	seq.s32 s10, $0x1;
	s10 =	sld [smem:$0x3FB8];
	_ =	sdelay $0x3  }
0x34: {  	[smem:$0x3FB8] =	sst s10  }
0x35: {  	s10 =	sld [smem:$0x3FB7];
	_ =	sdelay $0x3  }
0x36: {  	p1 =	seq.s32 s10, $0x1;
	s10 =	sld [smem:$0x3FB8];
	_ =	sdelay $0x3  }
0x37: {  	[smem:$0x3FB8] =	sst s10  }
0x38: {  	s10 =	sld [smem:$0x3FB9]  }
0x39: {  	_ = 	snop;
	(pc) =	sbr.ind lr, $3  }
0x3a: {  	_ = 	snop  }
0x3b: {  	_ = 	snop  }
0x3c: {  	p2 =	seq.s32 s10, $0x1;
	s10 =	sld [smem:$0x3FB8]  }
0x3d: {  	_ =	shalt  }
0x3e: {  	_ =	shalt  }
0x3f: {  	_ =	shalt  }
0x40: {  	_ =	shalt  }
0x41: {  	_ =	shalt  }
0x42: {  	_ =	shalt  }
0x43: {  	_ =	shalt  }
0x44: {  	_ =	shalt  }
0x45: {  	_ =	shalt  }
0x46: {  	_ =	shalt  }
0x47: {  	_ =	shalt  }
0x48: {  	_ =	shalt  }
0x49: {  	_ =	shalt  }
0x4a: {  	_ =	shalt  }
0x4b: {  	_ =	shalt  }
0x4c: {  	_ =	shalt  }
0x4d: {  	_ =	shalt  }
0x4e: {  	_ =	shalt  }
0x4f: {  	_ =	shalt  }
0x50: {  	_ =	shalt  }
0x51: {  	_ =	shalt  }
0x52: {  	_ =	shalt  }
0x53: {  	_ =	shalt  }
0x54: {  	_ =	shalt  }
0x55: {  	_ =	shalt  }
0x56: {  	_ =	shalt  }
0x57: {  	_ =	shalt  }
0x58: {  	_ =	shalt  }
0x59: {  	_ =	shalt  }
0x5a: {  	_ =	shalt  }
0x5b: {  	_ =	shalt  }
0x5c: {  	_ =	shalt  }
0x5d: {  	_ =	shalt  }
0x5e: {  	_ =	shalt  }
0x5f: {  	_ =	shalt  }
0x60: {  	_ =	shalt  }
0x61: {  	_ =	shalt  }
0x62: {  	_ =	shalt  }
0x63: {  	_ =	shalt  }
0x64: {  	_ =	shalt  }
0x65: {  	_ =	shalt  }
0x66: {  	_ =	shalt  }
0x67: {  	_ =	shalt  }
0x68: {  	_ =	shalt  }
0x69: {  	_ =	shalt  }
0x6a: {  	_ =	shalt  }
0x6b: {  	_ =	shalt  }
0x6c: {  	_ =	shalt  }
0x6d: {  	_ =	shalt  }
0x6e: {  	_ =	shalt  }
0x6f: {  	_ =	shalt  }
0x70: {  	_ =	shalt  }
0x71: {  	_ =	shalt  }
0x72: {  	_ =	shalt  }
0x73: {  	_ =	shalt  }
0x74: {  	_ =	shalt  }
0x75: {  	_ =	shalt  }
0x76: {  	_ =	shalt  }
0x77: {  	_ =	shalt  }
0x78: {  	_ =	shalt  }
0x79: {  	_ =	shalt  }
0x7a: {  	_ =	shalt  }
0x7b: {  	_ =	shalt  }
0x7c: {  	_ =	shalt  }
0x7d: {  	_ =	shalt  }
0x7e: {  	_ =	shalt  }
0x7f: {  	_ =	shalt  }
0x80: {  	_ =	shalt  }
0x81: {  	_ =	shalt  }
0x82: {  	_ =	shalt  }
0x83: {  	_ =	shalt  }
0x84: {  	_ =	shalt  }
0x85: {  	_ =	shalt  }
0x86: {  	_ =	shalt  }
0x87: {  	_ =	shalt  }
.Lfunc_end0:
.L_simem_size_0:
called_computation_lowered:
.L_overlay_start_0:
0x88: {  	s2 =	sld [smem:$0x3FD9]  }
0x89: {  	s3 =	sld [smem:$0x3FFE];
	_ =	sdelay $0x1  }
0x8a: {  	s1 =	srdreg.scid  }
0x8b: {  	s0 =	sand.u32 $0x1, s1  }
0x8c: {  	s17 =	sshll.u32 s0, $0xA;
	s2 =	sadd.s32 s3, s2  }
0x8d: {  	s2 =	sadd.s32 s2, s17  }
0x8e: {  	[smem:$0x3FC4] =	sst s2  }
0x8f: {  	_ = 	snop  }
0x90: {  	s2 =	sld [smem:$0x3FD0];
	(tm) =	ssettm $0x1  }
0x91: {  	s18 =	sld [smem:$0x3FFB];
	_ =	sdelay $0x3  }
0x92: {  	_ =	strace s18  }
0x93: {  	s3 =	sld [smem:$0x3FFC];
	_ =	sdelay $0x3  }
0x94: {  	_ =	strace s3  }
0x95: {  	s3 =	sld [smem:$0x3FFD];
	_ =	sdelay $0x3  }
0x96: {  	_ =	strace s3  }
0x97: {  	_ =	strace $0x8FFFFFFF  }
0x98: {  	s19 =	sld [smem:$0x3FDB];
	_ =	sdelay $0x1  }
0x99: {  	s4 =	simm.s32 $_scs_section_size  }
0x9a: {  	s5 =	simm.s32 $_size__tile_overlayer_lowered;
	s6 =	simm.s32 $_tile_overlayer_lowered  }
0x9b: {  	s22 =	simm.s32 $0x1BFF;
	s21 =	sshll.u32 s6, $0x1;
	s3 =	sadd.s32 s4, s19  }
0x9c: {  	s7 =	simm.s32 $0x0;
	s20 =	sshll.u32 s5, $0x1;
	s5 =	sadd.s32 s21, s3  }
0x9d: {  	[timem:s7], [sflag:s22] =	dma.local [hbm:s5], s20  }
0x9e: {  	_ =	swait.ge [sflag:s22], s20  }
0x9f: {  	s4 =	ssub.s32 $0x0, s20;
	[sflag:s22] =	ssyncset.done $0x0  }
0xa0: {  	[sflag:s22] =	ssyncadd.s32 s4;
	_ =	sdelay $0x1  }
0xa1: {  	s23 =	simm.s32 $0x1B8B  }
0xa2: {  	_ =	swait.ge [sflag:s23], $0x1  }
0xa3: {  	[sflag:s23] =	ssyncset.done $0x0  }
0xa4: {  	s25 =	simm.s32 $0x1B8E;
	s24 =	sld [smem:$0x3FFE];
	[sflag:s23] =	ssyncadd.s32 $0xFFFFFFFF  }
0xa5: {  	s26 =	simm.s32 $execute0_lowered;
	[smem:$0x3FD2] =	sst s25  }
0xa6: {  	s5 =	sshll.u32 s26, $0x1;
	_ =	strace $0x80000046;
	[dreg:$0x1] =	wrdreg $0xFFFFFFFF  }
0xa7: {  	s28 =	simm.s32 $_size_execute0_lowered;
	s3 =	sadd.s32 s3, s5;
	[dreg:$0x0] =	wrdreg $0x0  }
0xa8: {  	s5 =	sshll.u32 s28, $0x1;
	[dreg:$0x2] =	wrdreg s3  }
0xa9: {  	[dreg:$0x3] =	wrdreg s5  }
0xaa: {  	[dreg:$0x4] =	wrdreg $0xC0  }
0xab: {  	_ =	task [dreg:s7], $0x5FFFF  }
0xac: {  	[dreg:$0x1] =	wrdreg $0xFFFFFFFF  }
0xad: {  	[dreg:$0x0] =	wrdreg $0x60  }
0xae: {  	[dreg:$0x2] =	wrdreg s2  }
0xaf: {  	[dreg:$0x3] =	wrdreg s24  }
0xb0: {  	[dreg:$0x4] =	wrdreg $0x9  }
0xb1: {  	_ =	task.clear_ibuf [dreg:s7], $0x5FFFF;
	_ =	strace $0x90000046  }
0xb2: {  	s29 =	simm.s32 $0x9;
	_ =	strace $0x80000048  }
0xb3: {  	_ =	swait.ge [sflag:s29], $0x1  }
0xb4: {  	[sflag:s29] =	ssyncadd.s32 $0xFFFFFFFF  }
0xb5: {  	_ =	strace $0x90000048  }
0xb6: {  	_ =	sfence  }
0xb7: {  	s30 =	sld [smem:$0x0];
	_ =	sdelay $0x2  }
0xb8: {  	s31 =	sshll.u32 s1, $0xD;
	s1 =	sshrl.u32 s1, $0x2  }
0xb9: {  	s3 =	sand.u32 $0x4000, s31;
	s1 =	sadd.s32 s1, s30  }
0xba: {  	s0 =	sor.u32 s3, s0;
	s1 =	sshll.u32 s1, $0x11  }
0xbb: {  	s0 =	sor.u32 s1, s0  }
0xbc: {  	s0 =	sadd.s32 $0x8F2B, s0  }
0xbd: {  	[sflag:s0] =	ssyncadd.remote.s32 $0x1  }
0xbe: {  	_ =	sfence.sel $0xFFFF  }
0xbf: {  	[dreg:$0x0] =	wrdreg $0xFFFFFFFF;
	(pc) =	sbr.abs _section_cstart, $3  }
0xc0: {  	[dreg:$0x1] =	wrdreg $0xFFFFFFFF  }
0xc1: {  	_ =	task.clear_ibuf [dreg:s7], $0x2FFFF;
	_ =	strace $0x9FFFFFFF  }
0xc2: {  	(tm) =	ssettm $0x7FFFFFFF  }
0xc3: {  	_ =	shalt  }
tec
execute0_lowered:
.L_overlay_start_1:
0x0: {  	(tag) =	ssettag $0x1  }
0x1: {  	s1 =	srdreg.scid;
	s2 =	rddreg [dreg:$0x0]  }
0x2: {  	s0 =	stileid.u32;
	s3 =	rddreg [dreg:$0x1]  }
0x3: {  	s6 =	simm.s32 $0x1;
	s9 =	simm.s32 $0x1;
	s1 =	sshll.u32 s1, $0x7  }
0x4: {  	s10 =	simm.s32 $0x3;
	s4 =	sshll.u32 s0, $0x8;
	s5 =	sand.u32 $0x80, s1  }
0x5: {  	s13 =	simm.s32 $0x0;
	s12 =	simm.s32 $0x0;
	s4 =	sor.u32 s4, s5  }
0x6: {  	s1 =	rddreg [dreg:$0x2];
	_ =	strace $0x80000047;
	s8 =	ssub.s32 $0x2000, s4  }
.Ltmp0:
0x7: {  	s5 =	sadd.s32 $0x600, s3;
	s7 =	sand.u32 $0xF80, s8;
	(pc) =	sbr.rel .LBB2_1-.Ltmp0, $4  }
0x8: {  	[sflag:s6] =	ssyncpa.u1 $0x0;
	s11 =	smov.u32 s4;
	p0 =	sne.s32 s7, $0x0  }
0x9: {  	s8 =	sshrl.u32 s8, $0xC;
	s7 =	simm.s32 $0x2;
	s9 =	simm.s32 @!p0 $0x0  }
0xa: {  	[sflag:s7] =	ssyncpa.u1 $0x0;
	p0 =	por $0x0, $0x0;
	s8 =	sadd.s32 s9, s8  }
0xb: {  	vm0 =	vmmov $0xffff;
	[sflag:s10] =	ssyncpa.u1 $0x0;
	s10 =	simm.s32 $0x0;
	s9 =	sadd.s32 $0x1, s8  }
.LBB2_4:
0xc: {  	v5 =	vshrl.u32 v1, $0xD;
	v6 =	vshll.u32 v1, $0x7  }
0xd: {  	vm1 =	veq.s32 v1, $0x80000000;
	v58 =	vand.u32 $0x7, v5;
	v59 =	vand.u32 $0xFFF80, v6  }
0xe: {  	v1 =	vsel vm1, $0xFFFFFFFF, v58;
	v5 =	vsel vm1, $0xFFFFFF80, v59  }
0xf: {  	v3 =	vor.u32 v4, v3;
	v60 =	vand.u32 $0xFFFFFC00, v5;
	v61 =	vand.u32 $0xFFFFFC00, v1  }
0x10: {  	v2 =	vor.u32 v2, v3;
	v63 =	vand.u32 $0x380, v5;
	v62 =	vadd.s32 v61, v60  }
0x11: {  	v1 =	vand.u32 $0x7F, v1;
	v3 =	vor.u32 v63, v62  }
0x12: {  	v1 =	vor.u32 v1, v3  }
0x13: {  	[tilespmem:s15], [sflag:$0x1] =	stream.indirect_vreg.gather [hbm4b:s2+s10], $0x1, v0, vm0, $0x4038;
	[tilespmem:$0x200] =	vst v63  }
0x14: {  	(ifvalue) =	ssetifvalue $0x7FFFFFFF  }
0x15: {  	[tilespmem:s16], [sflag:$0x1] =	stream.indirect_vreg.gather [hbm4b:s2+s10], $0x1, v2, vm0, $0x4038;
	[tilespmem:$0x200] =	vst v63  }
0x16: {  	s29 =	sadd.s32 $0x10, s16;
	(ifvalue) =	ssetifvalue $0x7FFFFFFF  }
0x17: {  	[tilespmem:s29], [sflag:$0x1] =	stream.indirect_vreg.gather [hbm4b:s2+s10], $0x1, v1, vm0, $0x4038;
	[tilespmem:$0x200] =	vst v63  }
0x18: {  	_ =	swait.ge [sflag:s6], $0x80  }
0x19: {  	s30 =	sshrl.u32 s13, $0x3;
	[sflag:s6] =	ssyncset.done $0x0  }
0x1a: {  	s31 =	sand.u32 $0x7, s13;
	s15 =	sadd.s32 s5, s30;
	[sflag:s6] =	ssyncadd.s32 $0xFFFFFF80  }
0x1b: {  	[hbm4b:s15+s31] =	stream.linear.scatter [tilespmem:s14], [sflag:$0x3], $0x80, $0x38;
	[tilespmem:$0x200] =	vst v63  }
.LBB2_5:
0x1c: {  	s15 =	sadd.s32 $0x1000, s11  }
0x1d: {  	p2 =	sgt.s32 s15, $0x1FFF  }
0x1e: {  	s15 =	smov.u32 @p2 s4;
	p2 =	sne.s32 s12, s9  }
.Ltmp1:
0x1f: {  	p1 =	slt.u32 s12, $0x2;
	(pc) =	sbr.rel @!p2 .LBB2_6-.Ltmp1, $4  }
0x20: {  	s14 =	simm.s32 @!p1 $0x3  }
0x21: {  	s16 =	sadd.s32 $0x1, s12;
	_ =	swait.ge @!p1 [sflag:s14], $0x80  }
0x22: {  	s13 =	smov.u32 s11;
	p0 =	por !p0, !p0;
	[sflag:s14] =	ssyncset.done @!p1 $0x0  }
0x23: {  	s12 =	smov.u32 s16;
	s11 =	smov.u32 s15;
	[sflag:s14] =	ssyncadd.s32 @!p1 $0xFFFFFF80  }
.LBB2_1:
0x24: {  	p1 =	sge.u32 s12, s8  }
0x25: {  	s14 =	sxor.u32 @!p1 $0xFFFFFFFF, s12  }
0x26: {  	s31 =	sadd.s32 $0xFFFFFFFF, s12;
	s15 =	sshrl.u32 @!p1 s11, $0x3;
	s14 =	sshll.u32 @!p1 s14, $0x7  }
0x27: {  	s16 =	sand.u32 @!p1 $0x7, s11;
	s15 =	sadd.s32 @!p1 s3, s15;
	s14 =	sand.u32 @!p1 $0x80, s14  }
0x28: {  	[tilespmem:s14], [sflag:$0x2] =	stream.linear.gather @!p1 [hbm4b:s15+s16], $0x80, $0x38;
	[tilespmem:$0x200] =	vst v63  }
0x29: {  	p1 =	sge.u32 s31, s8  }
.Ltmp2:
0x2a: {  	_ = 	snop;
	(pc) =	sbr.rel @p1 .LBB2_5-.Ltmp2, $1  }
0x2b: {  	_ =	sdelay $0x3  }
0x2c: {  	s14 =	simm.s32 $0x1  }
0x2d: {  	_ =	swait.ge [sflag:s7], $0x80;
	s14 =	simm.s32 @!p0 $0x0  }
0x2e: {  	[sflag:s7] =	ssyncset.done $0x0;
	s14 =	sshll.u32 s14, $0x7  }
0x2f: {  	[sflag:s7] =	ssyncadd.s32 $0xFFFFFF80;
	(ifvalue) =	ssetifvalue $0x7FFFFFFF;
	v0 =	vld.msk [tilespmem:s14+$0x0 ss:$0x1], $0xffff;
	_ =	sdelay $0x4  }
0x30: {  	s15 =	sadd.s32 $0x10, s14;
	v2 =	vshrl.u32 v0, $0xD;
	v3 =	vshll.u32 v0, $0x7  }
0x31: {  	v1 =	vld.msk [tilespmem:s15+$0x0 ss:$0x1], $0xffff;
	vm1 =	veq.s32 v0, $0x80000000;
	v0 =	vand.u32 $0x7, v2;
	v2 =	vand.u32 $0xFFF80, v3  }
0x32: {  	v0 =	vsel vm1, $0xFFFFFFFF, v0;
	v2 =	vsel vm1, $0xFFFFFF80, v2  }
0x33: {  	v3 =	vand.u32 $0xFFFFFC00, v2;
	v4 =	vand.u32 $0xFFFFFC00, v0  }
0x34: {  	v2 =	vand.u32 $0x380, v2;
	v3 =	vadd.s32 v4, v3  }
0x35: {  	v0 =	vand.u32 $0x7F, v0;
	v2 =	vor.u32 v2, v3  }
0x36: {  	v5 =	vshll.u32 v1, $0x7;
	v4 =	vshrl.u32 v1, $0xD;
	v0 =	vor.u32 v0, v2  }
0x37: {  	s16 =	sshll.u32 s12, $0x7;
	vm1 =	veq.s32 v1, $0x80000000;
	v1 =	vand.u32 $0x7, v4;
	v4 =	vand.u32 $0xFFF80, v5  }
0x38: {  	s16 =	sand.u32 $0x80, s16;
	s18 =	sadd.s32 $0x10, s15;
	v3 =	vsel vm1, $0xFFFFFFFF, v1;
	v4 =	vsel vm1, $0xFFFFFF80, v4  }
0x39: {  	s17 =	simm.s32 $0x20;
	s15 =	sor.u32 $0x100, s14;
	s14 =	sor.u32 $0x100, s16;
	v1 =	vld.msk [tilespmem:s18+$0x0 ss:$0x1], $0xffff;
	v5 =	vand.u32 $0xFFFFFC00, v4;
	v6 =	vand.u32 $0xFFFFFC00, v3  }
0x3a: {  	s16 =	sadd.s32 $0x10, s15;
	s18 =	sadd.s32 $0x10, s18;
	(ifvalue) =	ssetifvalue $0x7FFFFFFF;
	v2 =	vand.u32 $0x7F, v3;
	v4 =	vand.u32 $0x380, v4;
	v3 =	vadd.s32 v6, v5  }
.LBB2_3:
0x3b: {  	[tilespmem:s15], [sflag:$0x1] =	stream.indirect_vreg.gather [hbm4b:s2+s10], $0x1, v0, vm0, $0x4038;
	[tilespmem:$0x200] =	vst v63  }
0x3c: {  	s17 =	sadd.s32 $0x10, s17  }
0x3d: {  	v3 =	vor.u32 v4, v3;
	p1 =	slt.u32 s17, $0x70  }
.Ltmp3:
0x3e: {  	v4 =	vshrl.u32 v1, $0xD;
	v5 =	vshll.u32 v1, $0x7;
	s15 =	smov.u32 s16;
	v0 =	vor.u32 v2, v3;
	v2 =	vmovc v1;
	v1 =	vld.msk [tilespmem:s18+$0x0 ss:$0x1], $0xffff;
	(pc) =	sbr.rel @p1 .LBB2_3-.Ltmp3, $4  }
0x3f: {  	v3 =	vand.u32 $0xFFF80, v5;
	vm1 =	veq.s32 v2, $0x80000000;
	v2 =	vand.u32 $0x7, v4  }
0x40: {  	v4 =	vsel vm1, $0xFFFFFFFF, v2;
	v5 =	vsel vm1, $0xFFFFFF80, v3  }
0x41: {  	v2 =	vand.u32 $0x7F, v4;
	v3 =	vand.u32 $0xFFFFFC00, v5;
	v4 =	vand.u32 $0xFFFFFC00, v4  }
0x42: {  	s16 =	sadd.s32 $0x10, s16;
	s18 =	sadd.s32 $0x10, s18;
	v3 =	vadd.s32 v4, v3;
	v4 =	vand.u32 $0x380, v5;
	(ifvalue) =	ssetifvalue $0x7FFFFFFF  }
.Ltmp4:
0x43: {  	_ = 	snop;
	(pc) =	sbr.rel .LBB2_4-.Ltmp4, $1  }
0x44: {  	_ =	sdelay $0x3  }
.LBB2_6:
0x45: {  	_ =	sfence.sel $0x180000  }
0x46: {  	s2 =	simm.s32 $0x2;
	[bflag:$0x0] =	sbarrier.arrive $0xFFFF  }
0x47: {  	s30 =	simm.s32 $0x3;
	[sflag:s2] =	ssyncpa.u1 $0x1  }
0x48: {  	s31 =	simm.s32 $0x1;
	[sflag:s30] =	ssyncpa.u1 $0x1  }
0x49: {  	[sflag:s31] =	ssyncpa.u1 $0x1  }
0x4a: {  	p0 =	sne.s32 s0, $0x0;
	_ =	strace $0x90000047  }
0x4b: {  	s0 =	sadd.s32 @!p0 $0x100000, s1;
	[bflag:$0x2] =	sbarrier.arrive $0xFFFF  }
0x4c: {  	[sflag:s0] =	ssyncadd.tile.s32 @!p0 $0x1;
	_ =	shalt  }
.Lfunc_end2:
_tile_overlayer_lowered:
.L_overlay_start_2:
0x4d: {  	(tag) =	ssettag $0x2  }
0x4e: {  	s0 =	rddreg [dreg:$0x0];
	s2 =	stileid.u32  }
0x4f: {  	s1 =	rddreg [dreg:$0x1];
	p0 =	sne.s32 s2, $0x0  }
0x50: {  	s3 =	rddreg [dreg:$0x2];
	[bflag:$0x3] =	sbarrier.arrive $0xFFFF;
	s2 =	simm.s32 @!p0 $0x1C01  }
0x51: {  	[timem:s3], [sflag:s2] =	dma.local @!p0 [hbm:s0], s1  }
0x52: {  	s0 =	simm.s32 @!p0 $0x1  }
0x53: {  	_ =	swait.ge @!p0 [sflag:s0], s1  }
0x54: {  	s1 =	ssub.s32 @!p0 $0x0, s1;
	[sflag:s0] =	ssyncset.done @!p0 $0x0  }
0x55: {  	[sflag:s0] =	ssyncadd.s32 @!p0 s1  }
0x56: {  	[bflag:$0x3] =	sbarrier.arrive $0xFFFF  }
0x57: {  	_ =	shalt  }

// kernel: kernel.10.cloned.1.call-start
scs
__scs_entry_jumppad:
0x0: {  	(pc) =	sbr.rel $0x88, $3  }
0x1: {  	(tag) =	ssettag $0x0;
	lr =	simm.s32 $0x1  }
0x2: {  	[smem:$0x3F9D] =	sst lr;
	_ =	strace $0xD0000000  }
0x3: {  	_ = 	snop  }
0x4: {  	_ = 	snop  }
0x5: {  	_ = 	snop  }
0x6: {  	_ = 	snop  }
0x7: {  	_ = 	snop  }
__scs_overlays_trampoline_lowered:
0x8: {  	[smem:$0x3FAC] =	sst s0  }
0x9: {  	[smem:$0x3FAD] =	sst s1  }
0xa: {  	[smem:$0x3FAE] =	sst s2  }
0xb: {  	[smem:$0x3FAF] =	sst s3  }
0xc: {  	[smem:$0x3FB0] =	sst s4  }
0xd: {  	[smem:$0x3FB1] =	sst s5  }
0xe: {  	[smem:$0x3FB2] =	sst s6  }
0xf: {  	[smem:$0x3FB3] =	sst s7  }
0x10: {  	[smem:$0x3FB4] =	sst s8  }
0x11: {  	[smem:$0x3FB5] =	sst s9;
	s0 =	simm.s32 @!p0 $0x0  }
0x12: {  	s1 =	sld [smem:$0x3F9B];
	s0 =	simm.s32 @p0 $0x1  }
0x13: {  	[smem:$0x3FB6] =	sst s0;
	s0 =	simm.s32 @!p1 $0x0  }
0x14: {  	s2 =	sld [smem:$0x3F9A];
	s0 =	simm.s32 @p1 $0x1  }
0x15: {  	[smem:$0x3FB7] =	sst s0;
	s0 =	simm.s32 @!p2 $0x0  }
0x16: {  	s3 =	sld [smem:$0x3FDB];
	s0 =	simm.s32 @p2 $0x1  }
0x17: {  	s4 =	simm.s32 $0x1BF5;
	[smem:$0x3FB9] =	sst s0  }
0x18: {  	s0 =	sld [smem:$0x3F9C];
	_ =	swait.ge [sflag:s4], $0x0  }
0x19: {  	s7 =	sld [smem:$0x3F9D]  }
0x1a: {  	s8 =	sadd.s32 $0xFFFFE003, lr  }
0x1b: {  	s9 =	sadd.s32 $0xFFFFFEF7, lr;
	s5 =	simm.s32 $0xFFFFFFFF;
	p2 =	slt.u32 s8, $0xFFFFF086  }
0x1c: {  	p1 =	slt.u32 s9, $0xF7A;
	s5 =	simm.s32 @!p2 $0x0  }
0x1d: {  	s5 =	simm.s32 @p1 $0x1;
	p0 =	seq.s32 s7, s2  }
0x1e: {  	s7 =	smul.u32 @!p0 $0xF7A, s2;
	p2 =	seq.s32 @!p0 s5, $0x0  }
0x1f: {  	s9 =	smul.u32 $0xF7A, s1;
	s8 =	simm.s32 @!p0 $0x1BF5;
	p2 =	por !p2, p0  }
0x20: {  	[sflag:s8] =	ssyncset.s32 @!p0 $0xFFFFF086;
	s6 =	sadd.s32 @!p0 s3, s7;
	s7 =	simm.s32 @!p0 $0x108  }
0x21: {  	s3 =	sadd.s32 s3, s9;
	s6 =	sadd.s32 @!p0 $0x88, s6;
	s7 =	simm.s32 @p2 $0x1082  }
0x22: {  	[simem:s7], [sflag:s8] =	dma.local @!p0 [hbm:s6], $0xF7A  }
0x23: {  	s9 =	sor.u32 $0xD0000000, s2;
	s6 =	simm.s32 $0x108;
	_ =	swait.ge @!p0 [sflag:s8], $0x0  }
0x24: {  	s3 =	sadd.s32 $0x88, s3;
	s6 =	simm.s32 @!p1 $0x1082;
	[sflag:s4] =	ssyncset.s32 $0xFFFFF086  }
0x25: {  	[simem:s6], [sflag:s4] =	dma.local [hbm:s3], $0xF7A  }
0x26: {  	[smem:$0x3F9D] =	sst s1;
	(tag) =	ssettag s2;
	_ =	strace s9  }
0x27: {  	s1 =	sld [smem:$0x3FAD]  }
0x28: {  	s2 =	sld [smem:$0x3FAE]  }
0x29: {  	s4 =	sld [smem:$0x3FB0]  }
0x2a: {  	p0 =	seq.s32 s5, $0x0;
	s5 =	sld [smem:$0x3FB1]  }
0x2b: {  	s6 =	sld [smem:$0x3FB2]  }
0x2c: {  	s7 =	sld [smem:$0x3FB3]  }
0x2d: {  	s3 =	simm.s32 $0x108;
	s8 =	sld [smem:$0x3FB4]  }
0x2e: {  	s3 =	simm.s32 @!p0 $0x1082;
	s9 =	sld [smem:$0x3FB5]  }
0x2f: {  	lr =	sadd.s32 s0, s3;
	s0 =	sld [smem:$0x3FAC]  }
0x30: {  	s3 =	sld [smem:$0x3FAF]  }
0x31: {  	[smem:$0x3FB8] =	sst s10  }
0x32: {  	s10 =	sld [smem:$0x3FB6];
	_ =	sdelay $0x3  }
0x33: {  	p0 =	seq.s32 s10, $0x1;
	s10 =	sld [smem:$0x3FB8];
	_ =	sdelay $0x3  }
0x34: {  	[smem:$0x3FB8] =	sst s10  }
0x35: {  	s10 =	sld [smem:$0x3FB7];
	_ =	sdelay $0x3  }
0x36: {  	p1 =	seq.s32 s10, $0x1;
	s10 =	sld [smem:$0x3FB8];
	_ =	sdelay $0x3  }
0x37: {  	[smem:$0x3FB8] =	sst s10  }
0x38: {  	s10 =	sld [smem:$0x3FB9]  }
0x39: {  	_ = 	snop;
	(pc) =	sbr.ind lr, $3  }
0x3a: {  	_ = 	snop  }
0x3b: {  	_ = 	snop  }
0x3c: {  	p2 =	seq.s32 s10, $0x1;
	s10 =	sld [smem:$0x3FB8]  }
0x3d: {  	_ =	shalt  }
0x3e: {  	_ =	shalt  }
0x3f: {  	_ =	shalt  }
0x40: {  	_ =	shalt  }
0x41: {  	_ =	shalt  }
0x42: {  	_ =	shalt  }
0x43: {  	_ =	shalt  }
0x44: {  	_ =	shalt  }
0x45: {  	_ =	shalt  }
0x46: {  	_ =	shalt  }
0x47: {  	_ =	shalt  }
0x48: {  	_ =	shalt  }
0x49: {  	_ =	shalt  }
0x4a: {  	_ =	shalt  }
0x4b: {  	_ =	shalt  }
0x4c: {  	_ =	shalt  }
0x4d: {  	_ =	shalt  }
0x4e: {  	_ =	shalt  }
0x4f: {  	_ =	shalt  }
0x50: {  	_ =	shalt  }
0x51: {  	_ =	shalt  }
0x52: {  	_ =	shalt  }
0x53: {  	_ =	shalt  }
0x54: {  	_ =	shalt  }
0x55: {  	_ =	shalt  }
0x56: {  	_ =	shalt  }
0x57: {  	_ =	shalt  }
0x58: {  	_ =	shalt  }
0x59: {  	_ =	shalt  }
0x5a: {  	_ =	shalt  }
0x5b: {  	_ =	shalt  }
0x5c: {  	_ =	shalt  }
0x5d: {  	_ =	shalt  }
0x5e: {  	_ =	shalt  }
0x5f: {  	_ =	shalt  }
0x60: {  	_ =	shalt  }
0x61: {  	_ =	shalt  }
0x62: {  	_ =	shalt  }
0x63: {  	_ =	shalt  }
0x64: {  	_ =	shalt  }
0x65: {  	_ =	shalt  }
0x66: {  	_ =	shalt  }
0x67: {  	_ =	shalt  }
0x68: {  	_ =	shalt  }
0x69: {  	_ =	shalt  }
0x6a: {  	_ =	shalt  }
0x6b: {  	_ =	shalt  }
0x6c: {  	_ =	shalt  }
0x6d: {  	_ =	shalt  }
0x6e: {  	_ =	shalt  }
0x6f: {  	_ =	shalt  }
0x70: {  	_ =	shalt  }
0x71: {  	_ =	shalt  }
0x72: {  	_ =	shalt  }
0x73: {  	_ =	shalt  }
0x74: {  	_ =	shalt  }
0x75: {  	_ =	shalt  }
0x76: {  	_ =	shalt  }
0x77: {  	_ =	shalt  }
0x78: {  	_ =	shalt  }
0x79: {  	_ =	shalt  }
0x7a: {  	_ =	shalt  }
0x7b: {  	_ =	shalt  }
0x7c: {  	_ =	shalt  }
0x7d: {  	_ =	shalt  }
0x7e: {  	_ =	shalt  }
0x7f: {  	_ =	shalt  }
0x80: {  	_ =	shalt  }
0x81: {  	_ =	shalt  }
0x82: {  	_ =	shalt  }
0x83: {  	_ =	shalt  }
0x84: {  	_ =	shalt  }
0x85: {  	_ =	shalt  }
0x86: {  	_ =	shalt  }
0x87: {  	_ =	shalt  }
.Lfunc_end0:
.L_simem_size_0:
called_computation.2_lowered:
.L_overlay_start_0:
0x88: {  	s2 =	sld [smem:$0x3FD9]  }
0x89: {  	s3 =	sld [smem:$0x3FFE];
	_ =	sdelay $0x1  }
0x8a: {  	s1 =	srdreg.scid  }
0x8b: {  	s0 =	sand.u32 $0x1, s1  }
0x8c: {  	s16 =	sshll.u32 s0, $0xA;
	s2 =	sadd.s32 s3, s2  }
0x8d: {  	s2 =	sadd.s32 s2, s16  }
0x8e: {  	[smem:$0x3FC4] =	sst s2  }
0x8f: {  	_ = 	snop  }
0x90: {  	(tm) =	ssettm $0x1  }
0x91: {  	s17 =	sld [smem:$0x3FFB];
	_ =	sdelay $0x3  }
0x92: {  	_ =	strace s17  }
0x93: {  	s2 =	sld [smem:$0x3FFC];
	_ =	sdelay $0x3  }
0x94: {  	_ =	strace s2  }
0x95: {  	s2 =	sld [smem:$0x3FFD];
	_ =	sdelay $0x3  }
0x96: {  	_ =	strace s2  }
0x97: {  	_ =	strace $0x8FFFFFFF  }
0x98: {  	s18 =	sld [smem:$0x3FDB];
	_ =	sdelay $0x1  }
0x99: {  	s19 =	simm.s32 $_scs_section_size  }
0x9a: {  	s4 =	simm.s32 $_size__tile_overlayer_lowered;
	s5 =	simm.s32 $_tile_overlayer_lowered  }
0x9b: {  	s22 =	simm.s32 $0x1BFF;
	s21 =	sshll.u32 s5, $0x1;
	s2 =	sadd.s32 s19, s18  }
0x9c: {  	s6 =	simm.s32 $0x0;
	s20 =	sshll.u32 s4, $0x1;
	s4 =	sadd.s32 s21, s2  }
0x9d: {  	[timem:s6], [sflag:s22] =	dma.local [hbm:s4], s20  }
0x9e: {  	_ =	swait.ge [sflag:s22], s20  }
0x9f: {  	s3 =	ssub.s32 $0x0, s20;
	[sflag:s22] =	ssyncset.done $0x0  }
0xa0: {  	[sflag:s22] =	ssyncadd.s32 s3;
	_ =	sdelay $0x1  }
0xa1: {  	s23 =	simm.s32 $0x1B8B  }
0xa2: {  	_ =	swait.ge [sflag:s23], $0x1  }
0xa3: {  	[sflag:s23] =	ssyncset.done $0x0  }
0xa4: {  	s25 =	simm.s32 $0x1B8E;
	s24 =	sld [smem:$0x3FFE];
	[sflag:s23] =	ssyncadd.s32 $0xFFFFFFFF  }
0xa5: {  	s26 =	simm.s32 $execute0_lowered;
	[smem:$0x3FD2] =	sst s25  }
0xa6: {  	s4 =	sshll.u32 s26, $0x1;
	_ =	strace $0x8000004C;
	[dreg:$0x1] =	wrdreg $0xFFFFFFFF  }
0xa7: {  	s28 =	simm.s32 $_size_execute0_lowered;
	s2 =	sadd.s32 s2, s4;
	[dreg:$0x0] =	wrdreg $0x0  }
0xa8: {  	s4 =	sshll.u32 s28, $0x1;
	[dreg:$0x2] =	wrdreg s2  }
0xa9: {  	[dreg:$0x3] =	wrdreg s4  }
0xaa: {  	[dreg:$0x4] =	wrdreg $0xC0  }
0xab: {  	_ =	task [dreg:s6], $0x5FFFF  }
0xac: {  	[dreg:$0x1] =	wrdreg $0xFFFFFFFF  }
0xad: {  	[dreg:$0x0] =	wrdreg $0x60  }
0xae: {  	[dreg:$0x2] =	wrdreg s24  }
0xaf: {  	[dreg:$0x3] =	wrdreg $0x9  }
0xb0: {  	_ =	task.clear_ibuf [dreg:s6], $0x4FFFF;
	_ =	strace $0x9000004C  }
0xb1: {  	s29 =	simm.s32 $0x9;
	_ =	strace $0x8000004E  }
0xb2: {  	_ =	swait.ge [sflag:s29], $0x1  }
0xb3: {  	[sflag:s29] =	ssyncadd.s32 $0xFFFFFFFF  }
0xb4: {  	_ =	strace $0x9000004E  }
0xb5: {  	_ =	sfence  }
0xb6: {  	s30 =	sld [smem:$0x0];
	_ =	sdelay $0x2  }
0xb7: {  	s31 =	sshll.u32 s1, $0xD;
	s1 =	sshrl.u32 s1, $0x2  }
0xb8: {  	s3 =	sand.u32 $0x4000, s31;
	s1 =	sadd.s32 s1, s30  }
0xb9: {  	s0 =	sor.u32 s3, s0;
	s1 =	sshll.u32 s1, $0x11  }
0xba: {  	s0 =	sor.u32 s1, s0  }
0xbb: {  	s0 =	sadd.s32 $0x8F2B, s0  }
0xbc: {  	[sflag:s0] =	ssyncadd.remote.s32 $0x1  }
0xbd: {  	_ =	sfence.sel $0xFFFF  }
0xbe: {  	[dreg:$0x0] =	wrdreg $0xFFFFFFFF;
	(pc) =	sbr.abs _section_cstart, $3  }
0xbf: {  	[dreg:$0x1] =	wrdreg $0xFFFFFFFF  }
0xc0: {  	_ =	task.clear_ibuf [dreg:s6], $0x2FFFF;
	_ =	strace $0x9FFFFFFF  }
0xc1: {  	(tm) =	ssettm $0x7FFFFFFF  }
tec
execute0_lowered:
.L_overlay_start_1:
0x0: {  	(tag) =	ssettag $0x1  }
0x1: {  	s0 =	rddreg [dreg:$0x0]  }
0x2: {  	s1 =	srdreg.scid;
	s5 =	stileid.u32;
	s2 =	simm.s32 $0x0  }
0x3: {  	s13 =	simm.s32 $0x880;
	s15 =	simm.s32 $0x1080;
	s16 =	simm.s32 $0x1880  }
0x4: {  	s17 =	simm.s32 $0x2080;
	s18 =	simm.s32 $0x2880;
	[smem:$0x7FF] =	sst s2  }
0x5: {  	s9 =	simm.s32 $0x3080;
	_ =	strace $0x8000004D;
	[dreg:$0x3] =	wrdreg s13  }
0x6: {  	s19 =	simm.s32 $0x3880;
	s20 =	simm.s32 $0x4080;
	[dreg:$0x4] =	wrdreg s15  }
0x7: {  	s21 =	simm.s32 $0x4880;
	s22 =	simm.s32 $0x5080;
	[dreg:$0x5] =	wrdreg s16  }
0x8: {  	s24 =	simm.s32 $0x5880;
	s25 =	simm.s32 $0x6080;
	[dreg:$0x6] =	wrdreg s17  }
0x9: {  	s10 =	simm.s32 $0x80;
	s26 =	simm.s32 $0x6880;
	[dreg:$0x7] =	wrdreg s18  }
0xa: {  	s11 =	simm.s32 $0x7080;
	s12 =	simm.s32 $0x7880;
	[dreg:$0x8] =	wrdreg s9  }
0xb: {  	s28 =	simm.s32 $0xF080;
	s29 =	simm.s32 $0xF880;
	[dreg:$0x9] =	wrdreg s19  }
0xc: {  	s30 =	simm.s32 $0x1;
	s31 =	simm.s32 $0x0;
	[dreg:$0xa] =	wrdreg s20  }
0xd: {  	s1 =	sand.u32 $0x1, s1;
	s3 =	sshll.u32 s5, $0x9;
	[dreg:$0xb] =	wrdreg s21  }
0xe: {  	s5 =	sshll.u32 s5, $0x10;
	s4 =	sshll.u32 s1, $0x8;
	[dreg:$0xc] =	wrdreg s22  }
0xf: {  	s8 =	sadd.s32 s5, s0;
	s14 =	ssub.s32 $0x2, s1;
	[dreg:$0xd] =	wrdreg s24  }
0x10: {  	s5 =	sadd.s32 $0x340800, s0;
	s1 =	sshll.u32 s1, $0xF;
	[dreg:$0xe] =	wrdreg s25  }
0x11: {  	s9 =	simm.s32 $0x2;
	[dreg:$0xf] =	wrdreg s26;
	s13 =	simm.s32 $0x8080  }
0x12: {  	s15 =	simm.s32 $0x9080;
	s16 =	simm.s32 $0x9880;
	s17 =	simm.s32 $0xA080  }
0x13: {  	s18 =	simm.s32 $0xA880;
	s19 =	simm.s32 $0xB080;
	s20 =	simm.s32 $0xB880  }
0x14: {  	s21 =	simm.s32 $0xC080;
	s22 =	simm.s32 $0xC880;
	s24 =	simm.s32 $0xD880  }
0x15: {  	s25 =	simm.s32 $0xE080;
	s26 =	simm.s32 $0xE880;
	s3 =	sor.u32 s4, s3  }
0x16: {  	s6 =	sshrl.u32 s14, $0x1;
	s1 =	sadd.s32 s1, s8;
	s4 =	sshrl.u32 s3, $0x3  }
0x17: {  	s3 =	sadd.s32 $0x340600, s0;
	s7 =	ssub.s32 s14, s6;
	s23 =	sadd.s32 $0x400, s1  }
0x18: {  	v2 =	vlaneseq.u32;
	s6 =	sadd.s32 $0x340900, s0;
	s4 =	sadd.s32 s4, s0;
	[dreg:$0x11] =	wrdreg s23  }
0x19: {  	vm0 =	vmmov $0xffff;
	v1 =	vshrl.u32 v2, $0x3;
	s14 =	simm.s32 $0x8880;
	s7 =	smax.u32 s7, $0x1;
	[dreg:$0x2] =	wrdreg s4  }
0x1a: {  	v0 =	vand.u32 $0x7, v2;
	v2 =	vor.u32 $0x8, v2;
	v1 =	vmul.u32 $0x8, v1;
	s23 =	simm.s32 $0xD080;
	s4 =	sadd.s32 $0x340700, s0;
	[dreg:$0x10] =	wrdreg s7  }
.LBB2_1:
0x1b: {  	s8 =	rddreg [dreg:$0x11];
	s1 =	simm.s32 $0x0  }
.LBB2_2:
0x1c: {  	s7 =	rddreg [dreg:$0x2]  }
0x1d: {  	s7 =	sadd.s32 s1, s7  }
0x1e: {  	[tilespmem:s2], [sflag:$0x2] =	stream.linear.gather [hbm4b:s7+s2], $0x40, $0x38;
	[tilespmem:$0x10080] =	vst v63  }
0x1f: {  	_ =	swait.ge [sflag:s9], $0x40  }
0x20: {  	[sflag:s9] =	ssyncset.done $0x0  }
0x21: {  	[sflag:s9] =	ssyncadd.s32 $0xFFFFFFC0  }
0x22: {  	v3 =	vld [tilespmem:$0x0];
	_ =	sdelay $0x4  }
0x23: {  	v4 =	vshll.u32 v3, $0x3  }
0x24: {  	v3 =	vand.u32 $0x7, v3;
	v4 =	vand.u32 $0xFFFFFFC0, v4  }
0x25: {  	v3 =	vor.u32 v3, v4  }
0x26: {  	v4 =	vperm.xlane v3, v0;
	_ =	sdelay $0x1  }
0x27: {  	v4 =	vadd.s32 v1, v4;
	_ =	sdelay $0x4  }
0x28: {  	[tilespmem:s10], [sflag:$0x1] =	stream.indirect_vreg.gather [hbm4b:s3+s2], $0x80, v4, vm0, $0xb8;
	[tilespmem:$0x10080] =	vst v63  }
0x29: {  	s7 =	rddreg [dreg:$0x3];
	v3 =	vperm.xlane v3, v2  }
0x2a: {  	[tilespmem:s7], [sflag:$0x1] =	stream.indirect_vreg.gather [hbm4b:s4+s2], $0x80, v4, vm0, $0xb8;
	[tilespmem:$0x10080] =	vst v63  }
0x2b: {  	s0 =	rddreg [dreg:$0x4];
	v3 =	vadd.s32 v1, v3  }
0x2c: {  	[tilespmem:s0], [sflag:$0x1] =	stream.indirect_vreg.gather [hbm4b:s5+s2], $0x80, v4, vm0, $0xb8;
	[tilespmem:$0x10080] =	vst v63  }
0x2d: {  	s7 =	rddreg [dreg:$0x5]  }
0x2e: {  	[tilespmem:s7], [sflag:$0x1] =	stream.indirect_vreg.gather [hbm4b:s6+s2], $0x80, v4, vm0, $0xb8;
	[tilespmem:$0x10080] =	vst v63  }
0x2f: {  	s0 =	rddreg [dreg:$0x6]  }
0x30: {  	[tilespmem:s0], [sflag:$0x1] =	stream.indirect_vreg.gather [hbm4b:s3+s2], $0x80, v3, vm0, $0xb8;
	[tilespmem:$0x10080] =	vst v63  }
0x31: {  	s7 =	rddreg [dreg:$0x7]  }
0x32: {  	[tilespmem:s7], [sflag:$0x1] =	stream.indirect_vreg.gather [hbm4b:s4+s2], $0x80, v3, vm0, $0xb8;
	[tilespmem:$0x10080] =	vst v63  }
0x33: {  	s0 =	rddreg [dreg:$0x8]  }
0x34: {  	[tilespmem:s0], [sflag:$0x1] =	stream.indirect_vreg.gather [hbm4b:s5+s2], $0x80, v3, vm0, $0xb8;
	[tilespmem:$0x10080] =	vst v63  }
0x35: {  	s7 =	rddreg [dreg:$0x9]  }
0x36: {  	[tilespmem:s7], [sflag:$0x1] =	stream.indirect_vreg.gather [hbm4b:s6+s2], $0x80, v3, vm0, $0xb8;
	[tilespmem:$0x10080] =	vst v63  }
0x37: {  	v3 =	vld [tilespmem:$0x10];
	_ =	sdelay $0x4  }
0x38: {  	v61 =	vshll.u32 v3, $0x3  }
0x39: {  	v3 =	vand.u32 $0x7, v3;
	v4 =	vand.u32 $0xFFFFFFC0, v61  }
0x3a: {  	v3 =	vor.u32 v3, v4  }
0x3b: {  	v4 =	vperm.xlane v3, v0;
	_ =	sdelay $0x1  }
0x3c: {  	v4 =	vadd.s32 v1, v4;
	_ =	sdelay $0x3  }
0x3d: {  	s0 =	rddreg [dreg:$0xa]  }
0x3e: {  	[tilespmem:s0], [sflag:$0x1] =	stream.indirect_vreg.gather [hbm4b:s3+s2], $0x80, v4, vm0, $0xb8;
	[tilespmem:$0x10080] =	vst v63  }
0x3f: {  	s7 =	rddreg [dreg:$0xb];
	v3 =	vperm.xlane v3, v2  }
0x40: {  	[tilespmem:s7], [sflag:$0x1] =	stream.indirect_vreg.gather [hbm4b:s4+s2], $0x80, v4, vm0, $0xb8;
	[tilespmem:$0x10080] =	vst v63  }
0x41: {  	v3 =	vadd.s32 v1, v3;
	s0 =	rddreg [dreg:$0xc]  }
0x42: {  	[tilespmem:s0], [sflag:$0x1] =	stream.indirect_vreg.gather [hbm4b:s5+s2], $0x80, v4, vm0, $0xb8;
	[tilespmem:$0x10080] =	vst v63  }
0x43: {  	s7 =	rddreg [dreg:$0xd]  }
0x44: {  	[tilespmem:s7], [sflag:$0x1] =	stream.indirect_vreg.gather [hbm4b:s6+s2], $0x80, v4, vm0, $0xb8;
	[tilespmem:$0x10080] =	vst v63  }
0x45: {  	s0 =	rddreg [dreg:$0xe]  }
0x46: {  	[tilespmem:s0], [sflag:$0x1] =	stream.indirect_vreg.gather [hbm4b:s3+s2], $0x80, v3, vm0, $0xb8;
	[tilespmem:$0x10080] =	vst v63  }
0x47: {  	s7 =	rddreg [dreg:$0xf]  }
0x48: {  	[tilespmem:s7], [sflag:$0x1] =	stream.indirect_vreg.gather [hbm4b:s4+s2], $0x80, v3, vm0, $0xb8;
	[tilespmem:$0x10080] =	vst v63  }
0x49: {  	_ = 	snop  }
0x4a: {  	[tilespmem:s11], [sflag:$0x1] =	stream.indirect_vreg.gather [hbm4b:s5+s2], $0x80, v3, vm0, $0xb8;
	[tilespmem:$0x10080] =	vst v63  }
0x4b: {  	_ = 	snop  }
0x4c: {  	[tilespmem:s12], [sflag:$0x1] =	stream.indirect_vreg.gather [hbm4b:s6+s2], $0x80, v3, vm0, $0xb8;
	[tilespmem:$0x10080] =	vst v63  }
0x4d: {  	v3 =	vld [tilespmem:$0x20];
	_ =	sdelay $0x4  }
0x4e: {  	v62 =	vshll.u32 v3, $0x3  }
0x4f: {  	v3 =	vand.u32 $0x7, v3;
	v4 =	vand.u32 $0xFFFFFFC0, v62  }
0x50: {  	v3 =	vor.u32 v3, v4  }
0x51: {  	v4 =	vperm.xlane v3, v0;
	_ =	sdelay $0x1  }
0x52: {  	v4 =	vadd.s32 v1, v4;
	_ =	sdelay $0x4  }
0x53: {  	[tilespmem:s13], [sflag:$0x1] =	stream.indirect_vreg.gather [hbm4b:s3+s2], $0x80, v4, vm0, $0xb8;
	[tilespmem:$0x10080] =	vst v63  }
0x54: {  	v3 =	vperm.xlane v3, v2  }
0x55: {  	[tilespmem:s14], [sflag:$0x1] =	stream.indirect_vreg.gather [hbm4b:s4+s2], $0x80, v4, vm0, $0xb8;
	[tilespmem:$0x10080] =	vst v63  }
0x56: {  	v3 =	vadd.s32 v1, v3  }
0x57: {  	[tilespmem:s15], [sflag:$0x1] =	stream.indirect_vreg.gather [hbm4b:s5+s2], $0x80, v4, vm0, $0xb8;
	[tilespmem:$0x10080] =	vst v63  }
0x58: {  	_ = 	snop  }
0x59: {  	[tilespmem:s16], [sflag:$0x1] =	stream.indirect_vreg.gather [hbm4b:s6+s2], $0x80, v4, vm0, $0xb8;
	[tilespmem:$0x10080] =	vst v63  }
0x5a: {  	_ = 	snop  }
0x5b: {  	[tilespmem:s17], [sflag:$0x1] =	stream.indirect_vreg.gather [hbm4b:s3+s2], $0x80, v3, vm0, $0xb8;
	[tilespmem:$0x10080] =	vst v63  }
0x5c: {  	_ = 	snop  }
0x5d: {  	[tilespmem:s18], [sflag:$0x1] =	stream.indirect_vreg.gather [hbm4b:s4+s2], $0x80, v3, vm0, $0xb8;
	[tilespmem:$0x10080] =	vst v63  }
0x5e: {  	_ = 	snop  }
0x5f: {  	[tilespmem:s19], [sflag:$0x1] =	stream.indirect_vreg.gather [hbm4b:s5+s2], $0x80, v3, vm0, $0xb8;
	[tilespmem:$0x10080] =	vst v63  }
0x60: {  	_ = 	snop  }
0x61: {  	[tilespmem:s20], [sflag:$0x1] =	stream.indirect_vreg.gather [hbm4b:s6+s2], $0x80, v3, vm0, $0xb8;
	[tilespmem:$0x10080] =	vst v63  }
0x62: {  	v3 =	vld [tilespmem:$0x30];
	_ =	sdelay $0x4  }
0x63: {  	v63 =	vshll.u32 v3, $0x3  }
0x64: {  	v3 =	vand.u32 $0x7, v3;
	v4 =	vand.u32 $0xFFFFFFC0, v63  }
0x65: {  	v3 =	vor.u32 v3, v4  }
0x66: {  	v4 =	vperm.xlane v3, v0;
	_ =	sdelay $0x1  }
0x67: {  	v4 =	vadd.s32 v1, v4;
	_ =	sdelay $0x4  }
0x68: {  	[tilespmem:s21], [sflag:$0x1] =	stream.indirect_vreg.gather [hbm4b:s3+s2], $0x80, v4, vm0, $0xb8;
	[tilespmem:$0x10080] =	vst v63  }
0x69: {  	v3 =	vperm.xlane v3, v2  }
0x6a: {  	[tilespmem:s22], [sflag:$0x1] =	stream.indirect_vreg.gather [hbm4b:s4+s2], $0x80, v4, vm0, $0xb8;
	[tilespmem:$0x10080] =	vst v63  }
0x6b: {  	v3 =	vadd.s32 v1, v3  }
0x6c: {  	[tilespmem:s23], [sflag:$0x1] =	stream.indirect_vreg.gather [hbm4b:s5+s2], $0x80, v4, vm0, $0xb8;
	[tilespmem:$0x10080] =	vst v63  }
0x6d: {  	_ = 	snop  }
0x6e: {  	[tilespmem:s24], [sflag:$0x1] =	stream.indirect_vreg.gather [hbm4b:s6+s2], $0x80, v4, vm0, $0xb8;
	[tilespmem:$0x10080] =	vst v63  }
0x6f: {  	_ = 	snop  }
0x70: {  	[tilespmem:s25], [sflag:$0x1] =	stream.indirect_vreg.gather [hbm4b:s3+s2], $0x80, v3, vm0, $0xb8;
	[tilespmem:$0x10080] =	vst v63  }
0x71: {  	_ = 	snop  }
0x72: {  	[tilespmem:s26], [sflag:$0x1] =	stream.indirect_vreg.gather [hbm4b:s4+s2], $0x80, v3, vm0, $0xb8;
	[tilespmem:$0x10080] =	vst v63  }
0x73: {  	_ = 	snop  }
0x74: {  	[tilespmem:s28], [sflag:$0x1] =	stream.indirect_vreg.gather [hbm4b:s5+s2], $0x80, v3, vm0, $0xb8;
	[tilespmem:$0x10080] =	vst v63  }
0x75: {  	_ = 	snop  }
0x76: {  	[tilespmem:s29], [sflag:$0x1] =	stream.indirect_vreg.gather [hbm4b:s6+s2], $0x80, v3, vm0, $0xb8;
	[tilespmem:$0x10080] =	vst v63  }
0x77: {  	_ =	swait.ge [sflag:s30], $0x10000  }
0x78: {  	p0 =	sne.s32 s1, $0x18;
	[sflag:s30] =	ssyncset.done $0x0  }
.Ltmp0:
0x79: {  	[sflag:s30] =	ssyncadd.s32 $0xFFFF0000;
	(pc) =	sbr.rel @p0 .LBB2_2-.Ltmp0, $4  }
0x7a: {  	[hbm4b:s8+s2] =	stream.linear.scatter [tilespmem:s10], [sflag:$0x2], $0x10000, $0x38;
	[tilespmem:$0x10080] =	vst v63  }
0x7b: {  	_ =	swait.ge [sflag:s9], $0x10000  }
0x7c: {  	[sflag:s9] =	ssyncset.done $0x0  }
0x7d: {  	s1 =	sadd.s32 $0x8, s1;
	s8 =	sadd.s32 $0x2000, s8;
	[sflag:s9] =	ssyncadd.s32 $0xFFFF0000  }
0x7e: {  	s31 =	sadd.s32 $0x1, s31;
	s0 =	rddreg [dreg:$0x10]  }
0x7f: {  	p0 =	sne.s32 s31, s0  }
.Ltmp1:
0x80: {  	_ = 	snop;
	(pc) =	sbr.rel @p0 .LBB2_1-.Ltmp1, $1  }
0x81: {  	_ =	sdelay $0x3  }
0x82: {  	_ =	sfence.sel $0x180000  }
0x83: {  	[bflag:$0x0] =	sbarrier.arrive $0xFFFF  }
0x84: {  	_ =	strace $0x9000004D  }
0x85: {  	s0 =	stileid.u32;
	[bflag:$0x2] =	sbarrier.arrive $0xFFFF  }
0x86: {  	p0 =	sne.s32 s0, $0x0;
	s0 =	rddreg [dreg:$0x1]  }
0x87: {  	s0 =	sadd.s32 @!p0 $0x100000, s0  }
0x88: {  	[sflag:s0] =	ssyncadd.tile.s32 @!p0 $0x1;
	_ =	shalt  }
.Lfunc_end2:
_tile_overlayer_lowered:
.L_overlay_start_2:
0x89: {  	(tag) =	ssettag $0x2  }
0x8a: {  	s0 =	rddreg [dreg:$0x0];
	s2 =	stileid.u32  }
0x8b: {  	s1 =	rddreg [dreg:$0x1];
	p0 =	sne.s32 s2, $0x0  }
0x8c: {  	s3 =	rddreg [dreg:$0x2];
	[bflag:$0x3] =	sbarrier.arrive $0xFFFF;
	s2 =	simm.s32 @!p0 $0x1C02  }
0x8d: {  	[timem:s3], [sflag:s2] =	dma.local @!p0 [hbm:s0], s1  }
0x8e: {  	s0 =	simm.s32 @!p0 $0x2  }
0x8f: {  	_ =	swait.ge @!p0 [sflag:s0], s1  }
0x90: {  	s1 =	ssub.s32 @!p0 $0x0, s1;
	[sflag:s0] =	ssyncset.done @!p0 $0x0  }
0x91: {  	[sflag:s0] =	ssyncadd.s32 @!p0 s1  }
0x92: {  	[bflag:$0x3] =	sbarrier.arrive $0xFFFF  }
0x93: {  	_ =	shalt  }

// kernel: kernel.7.cloned.1.call-start
scs
__scs_entry_jumppad:
0x0: {  	(pc) =	sbr.rel $0x88, $3  }
0x1: {  	(tag) =	ssettag $0x0;
	lr =	simm.s32 $0x1  }
0x2: {  	[smem:$0x3F9D] =	sst lr;
	_ =	strace $0xD0000000  }
0x3: {  	_ = 	snop  }
0x4: {  	_ = 	snop  }
0x5: {  	_ = 	snop  }
0x6: {  	_ = 	snop  }
0x7: {  	_ = 	snop  }
__scs_overlays_trampoline_lowered:
0x8: {  	[smem:$0x3FAC] =	sst s0  }
0x9: {  	[smem:$0x3FAD] =	sst s1  }
0xa: {  	[smem:$0x3FAE] =	sst s2  }
0xb: {  	[smem:$0x3FAF] =	sst s3  }
0xc: {  	[smem:$0x3FB0] =	sst s4  }
0xd: {  	[smem:$0x3FB1] =	sst s5  }
0xe: {  	[smem:$0x3FB2] =	sst s6  }
0xf: {  	[smem:$0x3FB3] =	sst s7  }
0x10: {  	[smem:$0x3FB4] =	sst s8  }
0x11: {  	[smem:$0x3FB5] =	sst s9;
	s0 =	simm.s32 @!p0 $0x0  }
0x12: {  	s1 =	sld [smem:$0x3F9B];
	s0 =	simm.s32 @p0 $0x1  }
0x13: {  	[smem:$0x3FB6] =	sst s0;
	s0 =	simm.s32 @!p1 $0x0  }
0x14: {  	s2 =	sld [smem:$0x3F9A];
	s0 =	simm.s32 @p1 $0x1  }
0x15: {  	[smem:$0x3FB7] =	sst s0;
	s0 =	simm.s32 @!p2 $0x0  }
0x16: {  	s3 =	sld [smem:$0x3FDB];
	s0 =	simm.s32 @p2 $0x1  }
0x17: {  	s4 =	simm.s32 $0x1BF5;
	[smem:$0x3FB9] =	sst s0  }
0x18: {  	s0 =	sld [smem:$0x3F9C];
	_ =	swait.ge [sflag:s4], $0x0  }
0x19: {  	s7 =	sld [smem:$0x3F9D]  }
0x1a: {  	s8 =	sadd.s32 $0xFFFFE003, lr  }
0x1b: {  	s9 =	sadd.s32 $0xFFFFFEF7, lr;
	s5 =	simm.s32 $0xFFFFFFFF;
	p2 =	slt.u32 s8, $0xFFFFF086  }
0x1c: {  	p1 =	slt.u32 s9, $0xF7A;
	s5 =	simm.s32 @!p2 $0x0  }
0x1d: {  	s5 =	simm.s32 @p1 $0x1;
	p0 =	seq.s32 s7, s2  }
0x1e: {  	s7 =	smul.u32 @!p0 $0xF7A, s2;
	p2 =	seq.s32 @!p0 s5, $0x0  }
0x1f: {  	s9 =	smul.u32 $0xF7A, s1;
	s8 =	simm.s32 @!p0 $0x1BF5;
	p2 =	por !p2, p0  }
0x20: {  	[sflag:s8] =	ssyncset.s32 @!p0 $0xFFFFF086;
	s6 =	sadd.s32 @!p0 s3, s7;
	s7 =	simm.s32 @!p0 $0x108  }
0x21: {  	s3 =	sadd.s32 s3, s9;
	s6 =	sadd.s32 @!p0 $0x88, s6;
	s7 =	simm.s32 @p2 $0x1082  }
0x22: {  	[simem:s7], [sflag:s8] =	dma.local @!p0 [hbm:s6], $0xF7A  }
0x23: {  	s9 =	sor.u32 $0xD0000000, s2;
	s6 =	simm.s32 $0x108;
	_ =	swait.ge @!p0 [sflag:s8], $0x0  }
0x24: {  	s3 =	sadd.s32 $0x88, s3;
	s6 =	simm.s32 @!p1 $0x1082;
	[sflag:s4] =	ssyncset.s32 $0xFFFFF086  }
0x25: {  	[simem:s6], [sflag:s4] =	dma.local [hbm:s3], $0xF7A  }
0x26: {  	[smem:$0x3F9D] =	sst s1;
	(tag) =	ssettag s2;
	_ =	strace s9  }
0x27: {  	s1 =	sld [smem:$0x3FAD]  }
0x28: {  	s2 =	sld [smem:$0x3FAE]  }
0x29: {  	s4 =	sld [smem:$0x3FB0]  }
0x2a: {  	p0 =	seq.s32 s5, $0x0;
	s5 =	sld [smem:$0x3FB1]  }
0x2b: {  	s6 =	sld [smem:$0x3FB2]  }
0x2c: {  	s7 =	sld [smem:$0x3FB3]  }
0x2d: {  	s3 =	simm.s32 $0x108;
	s8 =	sld [smem:$0x3FB4]  }
0x2e: {  	s3 =	simm.s32 @!p0 $0x1082;
	s9 =	sld [smem:$0x3FB5]  }
0x2f: {  	lr =	sadd.s32 s0, s3;
	s0 =	sld [smem:$0x3FAC]  }
0x30: {  	s3 =	sld [smem:$0x3FAF]  }
0x31: {  	[smem:$0x3FB8] =	sst s10  }
0x32: {  	s10 =	sld [smem:$0x3FB6];
	_ =	sdelay $0x3  }
0x33: {  	p0 =	seq.s32 s10, $0x1;
	s10 =	sld [smem:$0x3FB8];
	_ =	sdelay $0x3  }
0x34: {  	[smem:$0x3FB8] =	sst s10  }
0x35: {  	s10 =	sld [smem:$0x3FB7];
	_ =	sdelay $0x3  }
0x36: {  	p1 =	seq.s32 s10, $0x1;
	s10 =	sld [smem:$0x3FB8];
	_ =	sdelay $0x3  }
0x37: {  	[smem:$0x3FB8] =	sst s10  }
0x38: {  	s10 =	sld [smem:$0x3FB9]  }
0x39: {  	_ = 	snop;
	(pc) =	sbr.ind lr, $3  }
0x3a: {  	_ = 	snop  }
0x3b: {  	_ = 	snop  }
0x3c: {  	p2 =	seq.s32 s10, $0x1;
	s10 =	sld [smem:$0x3FB8]  }
0x3d: {  	_ =	shalt  }
0x3e: {  	_ =	shalt  }
0x3f: {  	_ =	shalt  }
0x40: {  	_ =	shalt  }
0x41: {  	_ =	shalt  }
0x42: {  	_ =	shalt  }
0x43: {  	_ =	shalt  }
0x44: {  	_ =	shalt  }
0x45: {  	_ =	shalt  }
0x46: {  	_ =	shalt  }
0x47: {  	_ =	shalt  }
0x48: {  	_ =	shalt  }
0x49: {  	_ =	shalt  }
0x4a: {  	_ =	shalt  }
0x4b: {  	_ =	shalt  }
0x4c: {  	_ =	shalt  }
0x4d: {  	_ =	shalt  }
0x4e: {  	_ =	shalt  }
0x4f: {  	_ =	shalt  }
0x50: {  	_ =	shalt  }
0x51: {  	_ =	shalt  }
0x52: {  	_ =	shalt  }
0x53: {  	_ =	shalt  }
0x54: {  	_ =	shalt  }
0x55: {  	_ =	shalt  }
0x56: {  	_ =	shalt  }
0x57: {  	_ =	shalt  }
0x58: {  	_ =	shalt  }
0x59: {  	_ =	shalt  }
0x5a: {  	_ =	shalt  }
0x5b: {  	_ =	shalt  }
0x5c: {  	_ =	shalt  }
0x5d: {  	_ =	shalt  }
0x5e: {  	_ =	shalt  }
0x5f: {  	_ =	shalt  }
0x60: {  	_ =	shalt  }
0x61: {  	_ =	shalt  }
0x62: {  	_ =	shalt  }
0x63: {  	_ =	shalt  }
0x64: {  	_ =	shalt  }
0x65: {  	_ =	shalt  }
0x66: {  	_ =	shalt  }
0x67: {  	_ =	shalt  }
0x68: {  	_ =	shalt  }
0x69: {  	_ =	shalt  }
0x6a: {  	_ =	shalt  }
0x6b: {  	_ =	shalt  }
0x6c: {  	_ =	shalt  }
0x6d: {  	_ =	shalt  }
0x6e: {  	_ =	shalt  }
0x6f: {  	_ =	shalt  }
0x70: {  	_ =	shalt  }
0x71: {  	_ =	shalt  }
0x72: {  	_ =	shalt  }
0x73: {  	_ =	shalt  }
0x74: {  	_ =	shalt  }
0x75: {  	_ =	shalt  }
0x76: {  	_ =	shalt  }
0x77: {  	_ =	shalt  }
0x78: {  	_ =	shalt  }
0x79: {  	_ =	shalt  }
0x7a: {  	_ =	shalt  }
0x7b: {  	_ =	shalt  }
0x7c: {  	_ =	shalt  }
0x7d: {  	_ =	shalt  }
0x7e: {  	_ =	shalt  }
0x7f: {  	_ =	shalt  }
0x80: {  	_ =	shalt  }
0x81: {  	_ =	shalt  }
0x82: {  	_ =	shalt  }
0x83: {  	_ =	shalt  }
0x84: {  	_ =	shalt  }
0x85: {  	_ =	shalt  }
0x86: {  	_ =	shalt  }
0x87: {  	_ =	shalt  }
.Lfunc_end0:
.L_simem_size_0:
called_computation.1_lowered:
.L_overlay_start_0:
0x88: {  	s2 =	sld [smem:$0x3FD9]  }
0x89: {  	s3 =	sld [smem:$0x3FFE];
	_ =	sdelay $0x1  }
0x8a: {  	s1 =	srdreg.scid  }
0x8b: {  	s0 =	sand.u32 $0x1, s1  }
0x8c: {  	s17 =	sshll.u32 s0, $0xA;
	s2 =	sadd.s32 s3, s2  }
0x8d: {  	s2 =	sadd.s32 s2, s17  }
0x8e: {  	[smem:$0x3FC4] =	sst s2  }
0x8f: {  	_ = 	snop  }
0x90: {  	s2 =	sld [smem:$0x3FC9]  }
0x91: {  	s18 =	sld [smem:$0x3FD0];
	(tm) =	ssettm $0x1  }
0x92: {  	s4 =	sld [smem:$0x3FFB];
	_ =	sdelay $0x3  }
0x93: {  	_ =	strace s4  }
0x94: {  	s4 =	sld [smem:$0x3FFC];
	_ =	sdelay $0x3  }
0x95: {  	_ =	strace s4  }
0x96: {  	s4 =	sld [smem:$0x3FFD];
	_ =	sdelay $0x3  }
0x97: {  	_ =	strace s4  }
0x98: {  	_ =	strace $0x8FFFFFFF  }
0x99: {  	s19 =	sld [smem:$0x3FDB];
	_ =	sdelay $0x1  }
0x9a: {  	s5 =	simm.s32 $_scs_section_size  }
0x9b: {  	s6 =	simm.s32 $_size__tile_overlayer_lowered;
	s7 =	simm.s32 $_tile_overlayer_lowered  }
0x9c: {  	s22 =	simm.s32 $0x1BFF;
	s21 =	sshll.u32 s7, $0x1;
	s4 =	sadd.s32 s5, s19  }
0x9d: {  	s8 =	simm.s32 $0x0;
	s20 =	sshll.u32 s6, $0x1;
	s6 =	sadd.s32 s21, s4  }
0x9e: {  	[timem:s8], [sflag:s22] =	dma.local [hbm:s6], s20  }
0x9f: {  	_ =	swait.ge [sflag:s22], s20  }
0xa0: {  	s5 =	ssub.s32 $0x0, s20;
	[sflag:s22] =	ssyncset.done $0x0  }
0xa1: {  	[sflag:s22] =	ssyncadd.s32 s5;
	_ =	sdelay $0x1  }
0xa2: {  	s23 =	simm.s32 $0x1B8B  }
0xa3: {  	_ =	swait.ge [sflag:s23], $0x1  }
0xa4: {  	[sflag:s23] =	ssyncset.done $0x0  }
0xa5: {  	s25 =	simm.s32 $0x1B8E;
	s24 =	sld [smem:$0x3FFE];
	[sflag:s23] =	ssyncadd.s32 $0xFFFFFFFF  }
0xa6: {  	s26 =	simm.s32 $execute0_lowered;
	[smem:$0x3FD2] =	sst s25  }
0xa7: {  	s6 =	sshll.u32 s26, $0x1;
	_ =	strace $0x80000049;
	[dreg:$0x1] =	wrdreg $0xFFFFFFFF  }
0xa8: {  	s28 =	simm.s32 $_size_execute0_lowered;
	s4 =	sadd.s32 s4, s6;
	[dreg:$0x0] =	wrdreg $0x0  }
0xa9: {  	s6 =	sshll.u32 s28, $0x1;
	[dreg:$0x2] =	wrdreg s4  }
0xaa: {  	[dreg:$0x3] =	wrdreg s6  }
0xab: {  	[dreg:$0x4] =	wrdreg $0xC0  }
0xac: {  	_ =	task [dreg:s8], $0x5FFFF  }
0xad: {  	[dreg:$0x1] =	wrdreg $0xFFFFFFFF  }
0xae: {  	[dreg:$0x0] =	wrdreg $0x60  }
0xaf: {  	[dreg:$0x2] =	wrdreg s2  }
0xb0: {  	[dreg:$0x3] =	wrdreg s18  }
0xb1: {  	[dreg:$0x4] =	wrdreg s24  }
0xb2: {  	[dreg:$0x5] =	wrdreg $0x9  }
0xb3: {  	_ =	task.clear_ibuf [dreg:s8], $0x6FFFF;
	_ =	strace $0x90000049  }
0xb4: {  	s29 =	simm.s32 $0x9;
	_ =	strace $0x8000004B  }
0xb5: {  	_ =	swait.ge [sflag:s29], $0x1  }
0xb6: {  	[sflag:s29] =	ssyncadd.s32 $0xFFFFFFFF  }
0xb7: {  	_ =	strace $0x9000004B  }
0xb8: {  	_ =	sfence  }
0xb9: {  	s30 =	sld [smem:$0x0];
	_ =	sdelay $0x2  }
0xba: {  	s31 =	sshll.u32 s1, $0xD;
	s1 =	sshrl.u32 s1, $0x2  }
0xbb: {  	s3 =	sand.u32 $0x4000, s31;
	s1 =	sadd.s32 s1, s30  }
0xbc: {  	s0 =	sor.u32 s3, s0;
	s1 =	sshll.u32 s1, $0x11  }
0xbd: {  	s0 =	sor.u32 s1, s0  }
0xbe: {  	s0 =	sadd.s32 $0x8F2B, s0  }
0xbf: {  	[sflag:s0] =	ssyncadd.remote.s32 $0x1  }
0xc0: {  	_ =	sfence.sel $0xFFFF  }
0xc1: {  	[dreg:$0x0] =	wrdreg $0xFFFFFFFF;
	(pc) =	sbr.abs _section_cstart, $3  }
0xc2: {  	[dreg:$0x1] =	wrdreg $0xFFFFFFFF  }
0xc3: {  	_ =	task.clear_ibuf [dreg:s8], $0x2FFFF;
	_ =	strace $0x9FFFFFFF  }
0xc4: {  	(tm) =	ssettm $0x7FFFFFFF  }
0xc5: {  	_ =	shalt  }
tec
execute0_lowered:
.L_overlay_start_1:
0x0: {  	(tag) =	ssettag $0x1  }
0x1: {  	s2 =	rddreg [dreg:$0x0]  }
0x2: {  	s4 =	rddreg [dreg:$0x1]  }
0x3: {  	s7 =	stileid.u32;
	s6 =	rddreg [dreg:$0x2];
	s3 =	simm.s32 $0x0  }
0x4: {  	s0 =	srdreg.scid;
	s11 =	simm.s32 $0x880;
	[smem:$0x7FF] =	sst s3  }
0x5: {  	s13 =	simm.s32 $0x1080;
	_ =	strace $0x8000004A;
	[dreg:$0x5] =	wrdreg s11  }
0x6: {  	s15 =	simm.s32 $0x1880;
	s17 =	simm.s32 $0x2080;
	[dreg:$0x6] =	wrdreg s13  }
0x7: {  	s18 =	simm.s32 $0x2880;
	s19 =	simm.s32 $0x3080;
	[dreg:$0x7] =	wrdreg s15  }
0x8: {  	s20 =	simm.s32 $0x3880;
	s21 =	simm.s32 $0x4080;
	[dreg:$0x8] =	wrdreg s17  }
0x9: {  	s22 =	simm.s32 $0x4880;
	s23 =	simm.s32 $0x5080;
	[dreg:$0x9] =	wrdreg s18  }
0xa: {  	s24 =	simm.s32 $0x5880;
	s9 =	simm.s32 $0x2;
	[dreg:$0xa] =	wrdreg s19  }
0xb: {  	s25 =	simm.s32 $0x6080;
	s26 =	simm.s32 $0x6880;
	[dreg:$0xb] =	wrdreg s20  }
0xc: {  	s28 =	simm.s32 $0xF080;
	s29 =	simm.s32 $0xF880;
	[dreg:$0xc] =	wrdreg s21  }
0xd: {  	s30 =	simm.s32 $0x1;
	s1 =	smul.u32 $0x280, s7;
	[dreg:$0xd] =	wrdreg s22  }
0xe: {  	s0 =	sand.u32 $0x1, s0;
	s10 =	smul.u32 $0x14000, s7;
	[dreg:$0xe] =	wrdreg s23  }
0xf: {  	s31 =	simm.s32 $0x0;
	s5 =	smul.u32 $0x140, s0;
	[dreg:$0xf] =	wrdreg s24  }
0x10: {  	s12 =	ssub.s32 $0x2, s0;
	s0 =	smul.u32 $0xA000, s0;
	[dreg:$0x10] =	wrdreg s25  }
0x11: {  	[dreg:$0x11] =	wrdreg s26;
	s11 =	simm.s32 $0x7080;
	s13 =	simm.s32 $0x8080  }
0x12: {  	s15 =	simm.s32 $0x9080;
	s17 =	simm.s32 $0xA080;
	s18 =	simm.s32 $0xA880  }
0x13: {  	s19 =	simm.s32 $0xB080;
	s20 =	simm.s32 $0xB880;
	s21 =	simm.s32 $0xC080  }
0x14: {  	s22 =	simm.s32 $0xC880;
	s23 =	simm.s32 $0xD080;
	s24 =	simm.s32 $0xD880  }
0x15: {  	s25 =	simm.s32 $0xE080;
	s26 =	simm.s32 $0xE880;
	s8 =	sadd.s32 s10, s6  }
0x16: {  	s14 =	sshrl.u32 s12, $0x1;
	s6 =	sadd.s32 $0x300, s2;
	s10 =	simm.s32 $0x80  }
0x17: {  	s1 =	sadd.s32 s5, s1;
	s16 =	ssub.s32 s12, s14;
	s5 =	sadd.s32 $0x200, s2  }
0x18: {  	s0 =	sadd.s32 s0, s8;
	s12 =	simm.s32 $0x7880;
	s7 =	smax.u32 s16, $0x1  }
0x19: {  	v2 =	vlaneseq.u32;
	s1 =	sshrl.u32 s1, $0x3;
	s0 =	sadd.s32 $0x600, s0;
	[dreg:$0x12] =	wrdreg s7  }
0x1a: {  	vm0 =	vmmov $0xffff;
	v1 =	vshrl.u32 v2, $0x3;
	s14 =	simm.s32 $0x8880;
	s1 =	sadd.s32 s1, s4;
	[dreg:$0x13] =	wrdreg s0  }
0x1b: {  	v0 =	vand.u32 $0x7, v2;
	v2 =	vor.u32 $0x8, v2;
	v1 =	vmul.u32 $0x8, v1;
	s16 =	simm.s32 $0x9880;
	s4 =	sadd.s32 $0x100, s2;
	[dreg:$0x4] =	wrdreg s1  }
.LBB2_1:
0x1c: {  	s8 =	rddreg [dreg:$0x13];
	s0 =	simm.s32 $0x0  }
.LBB2_2:
0x1d: {  	s7 =	rddreg [dreg:$0x4]  }
0x1e: {  	s7 =	sadd.s32 s0, s7  }
0x1f: {  	[tilespmem:s3], [sflag:$0x2] =	stream.linear.gather [hbm4b:s7+s3], $0x40, $0x38;
	[tilespmem:$0x10080] =	vst v63  }
0x20: {  	_ =	swait.ge [sflag:s9], $0x40  }
0x21: {  	[sflag:s9] =	ssyncset.done $0x0  }
0x22: {  	[sflag:s9] =	ssyncadd.s32 $0xFFFFFFC0  }
0x23: {  	v3 =	vld [tilespmem:$0x0];
	_ =	sdelay $0x4  }
0x24: {  	v4 =	vshll.u32 v3, $0x3  }
0x25: {  	v3 =	vand.u32 $0x7, v3;
	v4 =	vand.u32 $0xFFFFFFC0, v4  }
0x26: {  	v3 =	vor.u32 v3, v4  }
0x27: {  	v4 =	vperm.xlane v3, v0;
	_ =	sdelay $0x1  }
0x28: {  	v4 =	vadd.s32 v1, v4;
	_ =	sdelay $0x4  }
0x29: {  	[tilespmem:s10], [sflag:$0x1] =	stream.indirect_vreg.gather [hbm4b:s2+s3], $0x80, v4, vm0, $0xb8;
	[tilespmem:$0x10080] =	vst v63  }
0x2a: {  	s7 =	rddreg [dreg:$0x5];
	v3 =	vperm.xlane v3, v2  }
0x2b: {  	[tilespmem:s7], [sflag:$0x1] =	stream.indirect_vreg.gather [hbm4b:s4+s3], $0x80, v4, vm0, $0xb8;
	[tilespmem:$0x10080] =	vst v63  }
0x2c: {  	s1 =	rddreg [dreg:$0x6];
	v3 =	vadd.s32 v1, v3  }
0x2d: {  	[tilespmem:s1], [sflag:$0x1] =	stream.indirect_vreg.gather [hbm4b:s5+s3], $0x80, v4, vm0, $0xb8;
	[tilespmem:$0x10080] =	vst v63  }
0x2e: {  	s7 =	rddreg [dreg:$0x7]  }
0x2f: {  	[tilespmem:s7], [sflag:$0x1] =	stream.indirect_vreg.gather [hbm4b:s6+s3], $0x80, v4, vm0, $0xb8;
	[tilespmem:$0x10080] =	vst v63  }
0x30: {  	s1 =	rddreg [dreg:$0x8]  }
0x31: {  	[tilespmem:s1], [sflag:$0x1] =	stream.indirect_vreg.gather [hbm4b:s2+s3], $0x80, v3, vm0, $0xb8;
	[tilespmem:$0x10080] =	vst v63  }
0x32: {  	s7 =	rddreg [dreg:$0x9]  }
0x33: {  	[tilespmem:s7], [sflag:$0x1] =	stream.indirect_vreg.gather [hbm4b:s4+s3], $0x80, v3, vm0, $0xb8;
	[tilespmem:$0x10080] =	vst v63  }
0x34: {  	s1 =	rddreg [dreg:$0xa]  }
0x35: {  	[tilespmem:s1], [sflag:$0x1] =	stream.indirect_vreg.gather [hbm4b:s5+s3], $0x80, v3, vm0, $0xb8;
	[tilespmem:$0x10080] =	vst v63  }
0x36: {  	s7 =	rddreg [dreg:$0xb]  }
0x37: {  	[tilespmem:s7], [sflag:$0x1] =	stream.indirect_vreg.gather [hbm4b:s6+s3], $0x80, v3, vm0, $0xb8;
	[tilespmem:$0x10080] =	vst v63  }
0x38: {  	v3 =	vld [tilespmem:$0x10];
	_ =	sdelay $0x4  }
0x39: {  	v61 =	vshll.u32 v3, $0x3  }
0x3a: {  	v3 =	vand.u32 $0x7, v3;
	v4 =	vand.u32 $0xFFFFFFC0, v61  }
0x3b: {  	v3 =	vor.u32 v3, v4  }
0x3c: {  	v4 =	vperm.xlane v3, v0;
	_ =	sdelay $0x1  }
0x3d: {  	v4 =	vadd.s32 v1, v4;
	_ =	sdelay $0x3  }
0x3e: {  	s1 =	rddreg [dreg:$0xc]  }
0x3f: {  	[tilespmem:s1], [sflag:$0x1] =	stream.indirect_vreg.gather [hbm4b:s2+s3], $0x80, v4, vm0, $0xb8;
	[tilespmem:$0x10080] =	vst v63  }
0x40: {  	s7 =	rddreg [dreg:$0xd];
	v3 =	vperm.xlane v3, v2  }
0x41: {  	[tilespmem:s7], [sflag:$0x1] =	stream.indirect_vreg.gather [hbm4b:s4+s3], $0x80, v4, vm0, $0xb8;
	[tilespmem:$0x10080] =	vst v63  }
0x42: {  	v3 =	vadd.s32 v1, v3;
	s1 =	rddreg [dreg:$0xe]  }
0x43: {  	[tilespmem:s1], [sflag:$0x1] =	stream.indirect_vreg.gather [hbm4b:s5+s3], $0x80, v4, vm0, $0xb8;
	[tilespmem:$0x10080] =	vst v63  }
0x44: {  	s7 =	rddreg [dreg:$0xf]  }
0x45: {  	[tilespmem:s7], [sflag:$0x1] =	stream.indirect_vreg.gather [hbm4b:s6+s3], $0x80, v4, vm0, $0xb8;
	[tilespmem:$0x10080] =	vst v63  }
0x46: {  	s1 =	rddreg [dreg:$0x10]  }
0x47: {  	[tilespmem:s1], [sflag:$0x1] =	stream.indirect_vreg.gather [hbm4b:s2+s3], $0x80, v3, vm0, $0xb8;
	[tilespmem:$0x10080] =	vst v63  }
0x48: {  	s7 =	rddreg [dreg:$0x11]  }
0x49: {  	[tilespmem:s7], [sflag:$0x1] =	stream.indirect_vreg.gather [hbm4b:s4+s3], $0x80, v3, vm0, $0xb8;
	[tilespmem:$0x10080] =	vst v63  }
0x4a: {  	_ = 	snop  }
0x4b: {  	[tilespmem:s11], [sflag:$0x1] =	stream.indirect_vreg.gather [hbm4b:s5+s3], $0x80, v3, vm0, $0xb8;
	[tilespmem:$0x10080] =	vst v63  }
0x4c: {  	_ = 	snop  }
0x4d: {  	[tilespmem:s12], [sflag:$0x1] =	stream.indirect_vreg.gather [hbm4b:s6+s3], $0x80, v3, vm0, $0xb8;
	[tilespmem:$0x10080] =	vst v63  }
0x4e: {  	v3 =	vld [tilespmem:$0x20];
	_ =	sdelay $0x4  }
0x4f: {  	v62 =	vshll.u32 v3, $0x3  }
0x50: {  	v3 =	vand.u32 $0x7, v3;
	v4 =	vand.u32 $0xFFFFFFC0, v62  }
0x51: {  	v3 =	vor.u32 v3, v4  }
0x52: {  	v4 =	vperm.xlane v3, v0;
	_ =	sdelay $0x1  }
0x53: {  	v4 =	vadd.s32 v1, v4;
	_ =	sdelay $0x4  }
0x54: {  	[tilespmem:s13], [sflag:$0x1] =	stream.indirect_vreg.gather [hbm4b:s2+s3], $0x80, v4, vm0, $0xb8;
	[tilespmem:$0x10080] =	vst v63  }
0x55: {  	v3 =	vperm.xlane v3, v2  }
0x56: {  	[tilespmem:s14], [sflag:$0x1] =	stream.indirect_vreg.gather [hbm4b:s4+s3], $0x80, v4, vm0, $0xb8;
	[tilespmem:$0x10080] =	vst v63  }
0x57: {  	v3 =	vadd.s32 v1, v3  }
0x58: {  	[tilespmem:s15], [sflag:$0x1] =	stream.indirect_vreg.gather [hbm4b:s5+s3], $0x80, v4, vm0, $0xb8;
	[tilespmem:$0x10080] =	vst v63  }
0x59: {  	_ = 	snop  }
0x5a: {  	[tilespmem:s16], [sflag:$0x1] =	stream.indirect_vreg.gather [hbm4b:s6+s3], $0x80, v4, vm0, $0xb8;
	[tilespmem:$0x10080] =	vst v63  }
0x5b: {  	_ = 	snop  }
0x5c: {  	[tilespmem:s17], [sflag:$0x1] =	stream.indirect_vreg.gather [hbm4b:s2+s3], $0x80, v3, vm0, $0xb8;
	[tilespmem:$0x10080] =	vst v63  }
0x5d: {  	_ = 	snop  }
0x5e: {  	[tilespmem:s18], [sflag:$0x1] =	stream.indirect_vreg.gather [hbm4b:s4+s3], $0x80, v3, vm0, $0xb8;
	[tilespmem:$0x10080] =	vst v63  }
0x5f: {  	_ = 	snop  }
0x60: {  	[tilespmem:s19], [sflag:$0x1] =	stream.indirect_vreg.gather [hbm4b:s5+s3], $0x80, v3, vm0, $0xb8;
	[tilespmem:$0x10080] =	vst v63  }
0x61: {  	_ = 	snop  }
0x62: {  	[tilespmem:s20], [sflag:$0x1] =	stream.indirect_vreg.gather [hbm4b:s6+s3], $0x80, v3, vm0, $0xb8;
	[tilespmem:$0x10080] =	vst v63  }
0x63: {  	v3 =	vld [tilespmem:$0x30];
	_ =	sdelay $0x4  }
0x64: {  	v63 =	vshll.u32 v3, $0x3  }
0x65: {  	v3 =	vand.u32 $0x7, v3;
	v4 =	vand.u32 $0xFFFFFFC0, v63  }
0x66: {  	v3 =	vor.u32 v3, v4  }
0x67: {  	v4 =	vperm.xlane v3, v0;
	_ =	sdelay $0x1  }
0x68: {  	v4 =	vadd.s32 v1, v4;
	_ =	sdelay $0x4  }
0x69: {  	[tilespmem:s21], [sflag:$0x1] =	stream.indirect_vreg.gather [hbm4b:s2+s3], $0x80, v4, vm0, $0xb8;
	[tilespmem:$0x10080] =	vst v63  }
0x6a: {  	v3 =	vperm.xlane v3, v2  }
0x6b: {  	[tilespmem:s22], [sflag:$0x1] =	stream.indirect_vreg.gather [hbm4b:s4+s3], $0x80, v4, vm0, $0xb8;
	[tilespmem:$0x10080] =	vst v63  }
0x6c: {  	v3 =	vadd.s32 v1, v3  }
0x6d: {  	[tilespmem:s23], [sflag:$0x1] =	stream.indirect_vreg.gather [hbm4b:s5+s3], $0x80, v4, vm0, $0xb8;
	[tilespmem:$0x10080] =	vst v63  }
0x6e: {  	_ = 	snop  }
0x6f: {  	[tilespmem:s24], [sflag:$0x1] =	stream.indirect_vreg.gather [hbm4b:s6+s3], $0x80, v4, vm0, $0xb8;
	[tilespmem:$0x10080] =	vst v63  }
0x70: {  	_ = 	snop  }
0x71: {  	[tilespmem:s25], [sflag:$0x1] =	stream.indirect_vreg.gather [hbm4b:s2+s3], $0x80, v3, vm0, $0xb8;
	[tilespmem:$0x10080] =	vst v63  }
0x72: {  	_ = 	snop  }
0x73: {  	[tilespmem:s26], [sflag:$0x1] =	stream.indirect_vreg.gather [hbm4b:s4+s3], $0x80, v3, vm0, $0xb8;
	[tilespmem:$0x10080] =	vst v63  }
0x74: {  	_ = 	snop  }
0x75: {  	[tilespmem:s28], [sflag:$0x1] =	stream.indirect_vreg.gather [hbm4b:s5+s3], $0x80, v3, vm0, $0xb8;
	[tilespmem:$0x10080] =	vst v63  }
0x76: {  	_ = 	snop  }
0x77: {  	[tilespmem:s29], [sflag:$0x1] =	stream.indirect_vreg.gather [hbm4b:s6+s3], $0x80, v3, vm0, $0xb8;
	[tilespmem:$0x10080] =	vst v63  }
0x78: {  	_ =	swait.ge [sflag:s30], $0x10000  }
0x79: {  	p0 =	sne.s32 s0, $0x20;
	[sflag:s30] =	ssyncset.done $0x0  }
.Ltmp0:
0x7a: {  	[sflag:s30] =	ssyncadd.s32 $0xFFFF0000;
	(pc) =	sbr.rel @p0 .LBB2_2-.Ltmp0, $4  }
0x7b: {  	[hbm4b:s8+s3] =	stream.linear.scatter [tilespmem:s10], [sflag:$0x2], $0x10000, $0x38;
	[tilespmem:$0x10080] =	vst v63  }
0x7c: {  	_ =	swait.ge [sflag:s9], $0x10000  }
0x7d: {  	[sflag:s9] =	ssyncset.done $0x0  }
0x7e: {  	s0 =	sadd.s32 $0x8, s0;
	s8 =	sadd.s32 $0x2000, s8;
	[sflag:s9] =	ssyncadd.s32 $0xFFFF0000  }
0x7f: {  	s31 =	sadd.s32 $0x1, s31;
	s0 =	rddreg [dreg:$0x12]  }
0x80: {  	p0 =	sne.s32 s31, s0  }
.Ltmp1:
0x81: {  	_ = 	snop;
	(pc) =	sbr.rel @p0 .LBB2_1-.Ltmp1, $1  }
0x82: {  	_ =	sdelay $0x3  }
0x83: {  	_ =	sfence.sel $0x180000  }
0x84: {  	[bflag:$0x0] =	sbarrier.arrive $0xFFFF  }
0x85: {  	_ =	strace $0x9000004A  }
0x86: {  	s0 =	stileid.u32;
	[bflag:$0x2] =	sbarrier.arrive $0xFFFF  }
0x87: {  	p0 =	sne.s32 s0, $0x0;
	s0 =	rddreg [dreg:$0x3]  }
0x88: {  	s0 =	sadd.s32 @!p0 $0x100000, s0  }
0x89: {  	[sflag:s0] =	ssyncadd.tile.s32 @!p0 $0x1;
	_ =	shalt  }
.Lfunc_end2:
_tile_overlayer_lowered:
.L_overlay_start_2:
0x8a: {  	(tag) =	ssettag $0x2  }
0x8b: {  	s0 =	rddreg [dreg:$0x0];
	s2 =	stileid.u32  }
0x8c: {  	s1 =	rddreg [dreg:$0x1];
	p0 =	sne.s32 s2, $0x0  }
0x8d: {  	s3 =	rddreg [dreg:$0x2];
	[bflag:$0x3] =	sbarrier.arrive $0xFFFF;
	s2 =	simm.s32 @!p0 $0x1C02  }
0x8e: {  	[timem:s3], [sflag:s2] =	dma.local @!p0 [hbm:s0], s1  }
0x8f: {  	s0 =	simm.s32 @!p0 $0x2  }
0x90: {  	_ =	swait.ge @!p0 [sflag:s0], s1  }
0x91: {  	s1 =	ssub.s32 @!p0 $0x0, s1;
	[sflag:s0] =	ssyncset.done @!p0 $0x0  }
0x92: {  	[sflag:s0] =	ssyncadd.s32 @!p0 s1  }
0x93: {  	[bflag:$0x3] =	sbarrier.arrive $0xFFFF  }
0x94: {  	_ =	shalt  }

</sc_bundles>
